<compile_context>
chip_gen: v7x
topology: tpu7x:2x2x1
jax: 0.10.2.dev20260603
libtpu: 0.0.44.dev20260713+nightly
codegen_flags: <defaults>
</compile_context>

<pallas_src>
import functools

import jax
import jax.numpy as jnp
from jax import lax
from jax.experimental import pallas as pl
from jax.experimental.pallas import tpu as pltpu
from jax.experimental.pallas import tpu_sc as plsc

NC = 2
NS = 16
NB = 128
GB = 1


def _sc_mesh():
  return plsc.VectorSubcoreMesh(core_axis_name="c", subcore_axis_name="s",
                                num_cores=NC, num_subcores=NS)


def _zero_slice(zb, acc, row0, nrows):
  nfull = nrows // 64
  rem = nrows % 64

  @pl.loop(0, nfull)
  def _(i):
    pltpu.sync_copy(zb, acc.at[pl.ds(row0 + i * 64, 64)])

  if rem:
    pltpu.sync_copy(zb.at[pl.ds(0, rem)], acc.at[pl.ds(row0 + nfull * 64, rem)])


def _make_deg_kernel(npad, accrows, rows_w, d):
  zrows = accrows // NS
  orows = npad // NS

  @functools.partial(
      pl.kernel,
      out_type=jax.ShapeDtypeStruct((NC * npad, d), jnp.float32),
      mesh=_sc_mesh(),
      scratch_types=[
          pltpu.VMEM((rows_w, NB), jnp.int32),
          pltpu.VMEM((GB * NB, d), jnp.float32),
          pltpu.VMEM((64, d), jnp.float32),
          pltpu.VMEM_SHARED((accrows, d), jnp.float32),
          pltpu.SemaphoreType.DMA,
      ],
  )
  def deg_kernel(dst_hbm, out_hbm, didx, ones, zb, degsh, dsem):
    c = lax.axis_index("c")
    s = lax.axis_index("s")

    ov = jnp.ones((16,), jnp.float32)
    zv = jnp.zeros((16,), jnp.float32)
    nsub = d // 16

    @pl.loop(0, GB * NB * nsub)
    def _(i):
      ones[i // nsub, pl.ds((i % nsub) * 16, 16)] = ov

    @pl.loop(0, 64 * nsub)
    def _(i):
      zb[i // nsub, pl.ds((i % nsub) * 16, 16)] = zv

    _zero_slice(zb, degsh, s * zrows, zrows)
    pltpu.sync_copy(dst_hbm.at[c, pl.ds(s * rows_w, rows_w), :], didx)
    plsc.subcore_barrier()

    @pl.loop(0, rows_w // GB)
    def _(g):
      descs = [
          pltpu.async_copy(ones.at[pl.ds(b * NB, NB)],
                           degsh.at[didx.at[g * GB + b]], dsem, add=True)
          for b in range(GB)
      ]
      for de in descs:
        de.wait()

    plsc.subcore_barrier()
    pltpu.sync_copy(degsh.at[pl.ds(s * orows, orows)],
                    out_hbm.at[pl.ds(c * npad + s * orows, orows)])

  return deg_kernel


def _make_msg_kernel(npad, accrows, rows_w, d):
  zrows = accrows // NS
  orows = npad // NS

  @functools.partial(
      pl.kernel,
      out_type=jax.ShapeDtypeStruct((NC * npad, d), jnp.float32),
      mesh=_sc_mesh(),
      scratch_types=[
          pltpu.VMEM((rows_w, NB), jnp.int32),
          pltpu.VMEM((rows_w, NB), jnp.int32),
          pltpu.VMEM((GB * NB, d), jnp.float32),
          pltpu.VMEM((64, d), jnp.float32),
          pltpu.VMEM_SHARED((accrows, d), jnp.float32),
          pltpu.SemaphoreType.DMA,
          pltpu.SemaphoreType.DMA,
      ],
  )
  def msg_kernel(src_hbm, dst_hbm, hs_hbm, out_hbm,
                 sidx, didx, rows, zb, acc, gsem, ssem):
    c = lax.axis_index("c")
    s = lax.axis_index("s")

    zv = jnp.zeros((16,), jnp.float32)
    nsub = d // 16

    @pl.loop(0, 64 * nsub)
    def _(i):
      zb[i // nsub, pl.ds((i % nsub) * 16, 16)] = zv

    _zero_slice(zb, acc, s * zrows, zrows)
    pltpu.sync_copy(src_hbm.at[c, pl.ds(s * rows_w, rows_w), :], sidx)
    pltpu.sync_copy(dst_hbm.at[c, pl.ds(s * rows_w, rows_w), :], didx)
    plsc.subcore_barrier()

    @pl.loop(0, rows_w // GB)
    def _(g):
      j0 = g * GB
      gds = [
          pltpu.async_copy(hs_hbm.at[sidx.at[j0 + b]],
                           rows.at[pl.ds(b * NB, NB)], gsem)
          for b in range(GB)
      ]
      for de in gds:
        de.wait()
      sds = [
          pltpu.async_copy(rows.at[pl.ds(b * NB, NB)],
                           acc.at[didx.at[j0 + b]], ssem, add=True)
          for b in range(GB)
      ]
      for de in sds:
        de.wait()

    plsc.subcore_barrier()
    pltpu.sync_copy(acc.at[pl.ds(s * orows, orows)],
                    out_hbm.at[pl.ds(c * npad + s * orows, orows)])

  return msg_kernel


def _tc_matmul(x, w):
  n, dk = x.shape
  h = w.shape[1]
  r = 1000

  def body(x_ref, w_ref, o_ref):
    o_ref[...] = jnp.dot(x_ref[...], w_ref[...],
                         preferred_element_type=jnp.float32)

  return pl.pallas_call(
      body,
      grid=(n // r,),
      in_specs=[pl.BlockSpec((r, dk), lambda i: (i, 0)),
                pl.BlockSpec((dk, h), lambda i: (0, 0))],
      out_specs=pl.BlockSpec((r, h), lambda i: (i, 0)),
      out_shape=jax.ShapeDtypeStruct((n, h), jnp.float32),
  )(x, w)


def _tc_scale(deg0, deg1, h1):
  n, d = h1.shape
  r = 1000

  def body(d0_ref, d1_ref, h_ref, hs_ref, dis_ref):
    deg_v = d0_ref[...] + d1_ref[...] + 1.0
    dis = lax.rsqrt(deg_v)
    dis_ref[...] = dis
    hs_ref[...] = h_ref[...] * dis[:, 0:1]

  return pl.pallas_call(
      body,
      grid=(n // r,),
      in_specs=[pl.BlockSpec((r, 16), lambda i: (i, 0)),
                pl.BlockSpec((r, 16), lambda i: (i, 0)),
                pl.BlockSpec((r, d), lambda i: (i, 0))],
      out_specs=[pl.BlockSpec((r, d), lambda i: (i, 0)),
                 pl.BlockSpec((r, 16), lambda i: (i, 0))],
      out_shape=[jax.ShapeDtypeStruct((n, d), jnp.float32),
                 jax.ShapeDtypeStruct((n, 16), jnp.float32)],
  )(deg0, deg1, h1)


def _tc_layer(acc0, acc1, hs, dis, w, b):
  n, d = hs.shape
  h = w.shape[1]
  r = 1000

  def body(a0_ref, a1_ref, hs_ref, dis_ref, w_ref, b_ref, o_ref):
    disc = dis_ref[...][:, 0:1]
    pre = disc * (a0_ref[...] + a1_ref[...] + hs_ref[...]) + b_ref[...]
    act = jnp.maximum(pre, 0.0)
    o_ref[...] = jnp.dot(act, w_ref[...],
                         preferred_element_type=jnp.float32) * disc

  return pl.pallas_call(
      body,
      grid=(n // r,),
      in_specs=[pl.BlockSpec((r, d), lambda i: (i, 0)),
                pl.BlockSpec((r, d), lambda i: (i, 0)),
                pl.BlockSpec((r, d), lambda i: (i, 0)),
                pl.BlockSpec((r, 16), lambda i: (i, 0)),
                pl.BlockSpec((d, h), lambda i: (0, 0)),
                pl.BlockSpec((1, d), lambda i: (0, 0))],
      out_specs=pl.BlockSpec((r, h), lambda i: (i, 0)),
      out_shape=jax.ShapeDtypeStruct((n, h), jnp.float32),
  )(acc0, acc1, hs, dis, w, b)


def _tc_head(acc0, acc1, hs, dis, b2, w, bo):
  n, d = hs.shape
  co = w.shape[1]
  r = 1000

  def body(a0_ref, a1_ref, hs_ref, dis_ref, b2_ref, w_ref, bo_ref, o_ref):
    disc = dis_ref[...][:, 0:1]
    pre = disc * (a0_ref[...] + a1_ref[...] + hs_ref[...]) + b2_ref[...]
    act = jnp.maximum(pre, 0.0)
    z = jnp.dot(act, w_ref[...],
                preferred_element_type=jnp.float32) + bo_ref[...]
    m = jnp.max(z, axis=1, keepdims=True)
    e = jnp.exp(z - m)
    lse = jnp.log(jnp.sum(e, axis=1, keepdims=True)) + m
    o_ref[...] = z - lse

  return pl.pallas_call(
      body,
      grid=(n // r,),
      in_specs=[pl.BlockSpec((r, d), lambda i: (i, 0)),
                pl.BlockSpec((r, d), lambda i: (i, 0)),
                pl.BlockSpec((r, d), lambda i: (i, 0)),
                pl.BlockSpec((r, 16), lambda i: (i, 0)),
                pl.BlockSpec((1, d), lambda i: (0, 0)),
                pl.BlockSpec((d, co), lambda i: (0, 0)),
                pl.BlockSpec((1, co), lambda i: (0, 0))],
      out_specs=pl.BlockSpec((r, co), lambda i: (i, 0)),
      out_shape=jax.ShapeDtypeStruct((n, co), jnp.float32),
  )(acc0, acc1, hs, dis, b2, w, bo)


def kernel(x, edge_index, W1, b1, W2, b2, W_out, b_out):
  n, d = x.shape
  e = edge_index.shape[1]

  npad = -(-n // (NS * 8)) * (NS * 8)
  accrows = npad + 128
  rows_w = -(-e // (NC * NB * NS * 8)) * 8
  rows_tot = NS * rows_w
  ep = NC * rows_tot * NB

  src = edge_index[0]
  dst = edge_index[1]
  pad = ep - e
  pidx = jnp.arange(pad, dtype=edge_index.dtype)
  srcp = jnp.concatenate([src, jnp.zeros((pad,), edge_index.dtype)])
  dstp = jnp.concatenate([dst, npad + (pidx & 127)])
  src3 = srcp.reshape(NC, rows_tot, NB)
  dst3 = dstp.reshape(NC, rows_tot, NB)

  deg_kernel = _make_deg_kernel(npad, accrows, rows_w, d)
  msg_kernel = _make_msg_kernel(npad, accrows, rows_w, d)

  def _split(arr, w):
    return (lax.slice(arr, (0, 0), (n, w)),
            lax.slice(arr, (npad, 0), (npad + n, w)))

  deg0, deg1 = _split(deg_kernel(dst3), 16)
  h1 = _tc_matmul(x, W1)
  hs1, dis = _tc_scale(deg0, deg1, h1)

  a10, a11 = _split(msg_kernel(src3, dst3, hs1), d)
  hs2 = _tc_layer(a10, a11, hs1, dis, W2, b1.reshape(1, -1))

  a20, a21 = _split(msg_kernel(src3, dst3, hs2), d)
  out = _tc_head(a20, a21, hs2, dis, b2.reshape(1, -1), W_out,
                 b_out.reshape(1, -1))
  return out

# --- scband reference (transcript-rebuilt; emitter-appended) ---
"""Pipeline reference for scband-gnnmodel-baseline-10118942949882 (READ-ONLY COPY).

The authoritative reference and input builder live on the scoring server;
editing this copy changes nothing except your own understanding.
"""

import jax, jax.numpy as jnp
import numpy as np

N = 10000
E = 320000
D = 128
H = 128
C = 64


def gcn_conv(x, edge_index, W, b):
    # PyG-style GCNConv: x' = D^{-1/2} (A + I) D^{-1/2} (x W) + b
    n = x.shape[0]
    loop = jnp.arange(n, dtype=edge_index.dtype)
    src = jnp.concatenate([edge_index[0], loop])
    dst = jnp.concatenate([edge_index[1], loop])
    h = x @ W
    ones = jnp.ones(src.shape[0], dtype=x.dtype)
    deg = jax.ops.segment_sum(ones, dst, num_segments=n)
    dis = jnp.where(deg > 0, jax.lax.rsqrt(deg), 0.0)
    norm = dis[src] * dis[dst]
    msgs = h[src] * norm[:, None]
    out = jax.ops.segment_sum(msgs, dst, num_segments=n)
    return out + b


def setup_inputs(seed: int = 0) -> dict:
    key = jax.random.key(seed)
    ks = jax.random.split(key, 8)
    x = jax.random.normal(ks[0], (N, D), dtype=jnp.float32)
    edge_index = jax.random.randint(ks[1], (2, E), 0, N, dtype=jnp.int32)
    W1 = jax.random.normal(ks[2], (D, H), dtype=jnp.float32) * (1.0 / np.sqrt(D))
    b1 = jnp.zeros((H,), dtype=jnp.float32)
    W2 = jax.random.normal(ks[3], (H, H), dtype=jnp.float32) * (1.0 / np.sqrt(H))
    b2 = jnp.zeros((H,), dtype=jnp.float32)
    W_out = jax.random.normal(ks[4], (H, C), dtype=jnp.float32) * (1.0 / np.sqrt(H))
    b_out = jnp.zeros((C,), dtype=jnp.float32)
    return {"x": x, "edge_index": edge_index, "W1": W1, "b1": b1, "W2": W2, "b2": b2, "W_out": W_out, "b_out": b_out}


def reference(x, edge_index, W1, b1, W2, b2, W_out, b_out):
    h = gcn_conv(x, edge_index, W1, b1)
    h = jax.nn.relu(h)
    # dropout p=0.0 (identity); only applied between layers in eval-equivalent form
    h = gcn_conv(h, edge_index, W2, b2)
    h = jax.nn.relu(h)
    out = h @ W_out + b_out
    return jax.nn.log_softmax(out, axis=1)

if __name__ == "__main__":
    import jax
    _d = setup_inputs()
    print(jax.jit(kernel)(*tuple(_d.values())))

</pallas_src>

<mosaic_0001>
#map = affine_map<(d0, d1) -> (0, 0, 0)>
#map1 = affine_map<(d0, d1) -> (0, 0)>
module attributes {stable_mosaic.version = 14 : i64} {
  func.func @msg_kernel(%arg0: i32, %arg1: i32, %arg2: memref<2x1280x128xi32, #tpu.memory_space<hbm>>, %arg3: memref<2x1280x128xi32, #tpu.memory_space<hbm>>, %arg4: memref<10000x128xf32, #tpu.memory_space<hbm>>, %arg5: memref<20224x128xf32, #tpu.memory_space<hbm>>, %arg6: memref<80x128xi32, #tpu.memory_space<vmem>>, %arg7: memref<80x128xi32, #tpu.memory_space<vmem>>, %arg8: memref<128x128xf32, #tpu.memory_space<vmem>>, %arg9: memref<64x128xf32, #tpu.memory_space<vmem>>, %arg10: memref<10240x128xf32, #tpu.memory_space<vmem_shared>>, %arg11: memref<!tpu.dma_semaphore, #tpu.memory_space<semaphore_mem>>, %arg12: memref<!tpu.dma_semaphore, #tpu.memory_space<semaphore_mem>>) attributes {dimension_semantics = [#tpu.dimension_semantics<core_parallel>, #tpu.dimension_semantics<subcore_parallel>], iteration_bounds = array<i64: 2, 16>, scalar_prefetch = 0 : i64, scratch_operands = 7 : i64, tpu.core_type = #tpu.core_type<sc_vector_subcore>, window_params = [{transform_indices = #map}, {transform_indices = #map}, {transform_indices = #map1}, {transform_indices = #map1}]} {
    %broadcast_in_dim3A = arith.constant 0.000000e+00 : f32
    %broadcast_in_dim3A_0 = vector.broadcast %broadcast_in_dim3A : f32 to vector<16xf32>
    %scan3A = arith.constant 0 : i32
    %scan3A_1 = arith.constant 512 : i32
    %scan3A_2 = arith.addi %scan3A, %scan3A_1 : i32
    %scan3A_3 = arith.constant 1 : i32
    scf.for %scan3A_27 = %scan3A to %scan3A_2 step %scan3A_3  : i32 {
      %mul3A_28 = arith.constant 1 : i32
      %mul3A_29 = arith.muli %scan3A_27, %mul3A_28 : i32
      %add3A_30 = arith.constant 0 : i32
      %add3A_31 = arith.addi %add3A_30, %mul3A_29 : i32
      %jit3A = arith.constant 8 : i32
      %div3A = arith.divsi %add3A_31, %jit3A : i32
      %sign3A = arith.constant 0 : i32
      %sign3A_32 = arith.cmpi sgt, %add3A_31, %sign3A : i32
      %sign3A_33 = arith.extui %sign3A_32 : i1 to i32
      %sign3A_34 = arith.constant 0 : i32
      %sign3A_35 = arith.cmpi slt, %add3A_31, %sign3A_34 : i32
      %sign3A_36 = arith.extui %sign3A_35 : i1 to i32
      %sign3A_37 = arith.subi %sign3A_33, %sign3A_36 : i32
      %sign3A_38 = arith.constant 0 : i32
      %sign3A_39 = arith.cmpi sgt, %jit3A, %sign3A_38 : i32
      %sign3A_40 = arith.extui %sign3A_39 : i1 to i32
      %sign3A_41 = arith.constant 0 : i32
      %sign3A_42 = arith.cmpi slt, %jit3A, %sign3A_41 : i32
      %sign3A_43 = arith.extui %sign3A_42 : i1 to i32
      %sign3A_44 = arith.subi %sign3A_40, %sign3A_43 : i32
      %ne3A = arith.cmpi ne, %sign3A_37, %sign3A_44 : i32
      %rem3A = arith.remsi %add3A_31, %jit3A : i32
      %ne3A_45 = arith.constant 0 : i32
      %ne3A_46 = arith.cmpi ne, %rem3A, %ne3A_45 : i32
      %and3A = arith.andi %ne3A, %ne3A_46 : i1
      %sub3A = arith.constant 1 : i32
      %sub3A_47 = arith.subi %div3A, %sub3A : i32
      %select_n3A = arith.select %and3A, %sub3A_47, %div3A : i32
      %jit3A_48 = arith.constant 8 : i32
      %eq3A = arith.constant 0 : i32
      %eq3A_49 = arith.cmpi eq, %jit3A_48, %eq3A : i32
      %jit3A_50 = arith.constant 1 : i32
      %select_n3A_51 = arith.select %eq3A_49, %jit3A_50, %jit3A_48 : i32
      %rem3A_52 = arith.remsi %add3A_31, %select_n3A_51 : i32
      %ne3A_53 = arith.constant 0 : i32
      %ne3A_54 = arith.cmpi ne, %rem3A_52, %ne3A_53 : i32
      %lt3A = arith.constant 0 : i32
      %lt3A_55 = arith.cmpi slt, %rem3A_52, %lt3A : i32
      %lt3A_56 = arith.constant 0 : i32
      %lt3A_57 = arith.cmpi slt, %select_n3A_51, %lt3A_56 : i32
      %ne3A_58 = arith.xori %lt3A_55, %lt3A_57 : i1
      %and3A_59 = arith.andi %ne3A_58, %ne3A_54 : i1
      %add3A_60 = arith.addi %rem3A_52, %select_n3A_51 : i32
      %select_n3A_61 = arith.select %and3A_59, %add3A_60, %rem3A_52 : i32
      %mul3A_62 = arith.constant 16 : i32
      %mul3A_63 = arith.muli %select_n3A_61, %mul3A_62 : i32
      %swap3A = arith.index_cast %select_n3A : i32 to index
      %swap3A_64 = arith.index_cast %mul3A_63 : i32 to index
      %swap3A_65 = tpu.vector_load %arg9[%swap3A, %swap3A_64] {strides = array<i32>} : memref<64x128xf32, #tpu.memory_space<vmem>>, vector<1x16xf32>,
      %swap3A_66 = vector.shape_cast %swap3A_65 : vector<1x16xf32> to vector<16xf32>
      %swap3A_67 = vector.shape_cast %broadcast_in_dim3A_0 : vector<16xf32> to vector<1x16xf32>
      tpu.vector_store %arg9[%swap3A, %swap3A_64], %swap3A_67 {strides = array<i32>} : memref<64x128xf32, #tpu.memory_space<vmem>>, vector<1x16xf32>,
    }
    %scan3A_4 = arith.constant 512 : i32
    %mul3A = arith.constant 640 : i32
    %mul3A_5 = arith.muli %arg1, %mul3A : i32
    %scan3A_6 = arith.constant 0 : i32
    %scan3A_7 = arith.constant 10 : i32
    %scan3A_8 = arith.addi %scan3A_6, %scan3A_7 : i32
    %scan3A_9 = arith.constant 1 : i32
    scf.for %scan3A_27 = %scan3A_6 to %scan3A_8 step %scan3A_9  : i32 {
      %mul3A_28 = arith.constant 1 : i32
      %mul3A_29 = arith.muli %scan3A_27, %mul3A_28 : i32
      %add3A_30 = arith.constant 0 : i32
      %add3A_31 = arith.addi %add3A_30, %mul3A_29 : i32
      %mul3A_32 = arith.constant 64 : i32
      %mul3A_33 = arith.muli %add3A_31, %mul3A_32 : i32
      %add3A_34 = arith.addi %mul3A_5, %mul3A_33 : i32
      "tpu.region"() ({
        %run_scoped3A = tpu.sem_alloc : memref<!tpu.dma_semaphore, #tpu.memory_space<semaphore_mem>>
        %dma_start3A = arith.constant 0 : i32
        %dma_start3A_35 = tpu.memref_slice %arg10[%add3A_34, %dma_start3A] : memref<10240x128xf32, #tpu.memory_space<vmem_shared>> -> memref<64x128xf32, #tpu.memory_space<vmem_shared>>
        %dma_start3A_36 = arith.constant 0 : i32
        %dma_start3A_37 = tpu.memref_slice %arg10[%add3A_34, %dma_start3A_36] : memref<10240x128xf32, #tpu.memory_space<vmem_shared>> -> memref<64x128xf32, #tpu.memory_space<vmem_shared>>
        tpu.enqueue_dma source(%arg9 : memref<64x128xf32, #tpu.memory_space<vmem>>) target(%dma_start3A_37 : memref<64x128xf32, #tpu.memory_space<vmem_shared>>) target_semaphore(%run_scoped3A : memref<!tpu.dma_semaphore, #tpu.memory_space<semaphore_mem>>)
        %dma_wait3A = arith.constant 0 : i32
        %dma_wait3A_38 = tpu.memref_slice %arg10[%add3A_34, %dma_wait3A] : memref<10240x128xf32, #tpu.memory_space<vmem_shared>> -> memref<64x128xf32, #tpu.memory_space<vmem_shared>>
        %dma_wait3A_39 = arith.constant 0 : i32
        %dma_wait3A_40 = tpu.memref_slice %arg10[%add3A_34, %dma_wait3A_39] : memref<10240x128xf32, #tpu.memory_space<vmem_shared>> -> memref<64x128xf32, #tpu.memory_space<vmem_shared>>
        tpu.wait_dma2 semaphore(%run_scoped3A : memref<!tpu.dma_semaphore, #tpu.memory_space<semaphore_mem>>) src(%arg9 : memref<64x128xf32, #tpu.memory_space<vmem>>) dst(%dma_wait3A_40 : memref<64x128xf32, #tpu.memory_space<vmem_shared>>)
        tpu.yield
      }) : () -> ()
    }
    %scan3A_10 = arith.constant 10 : i32
    %mul3A_11 = arith.constant 80 : i32
    %mul3A_12 = arith.muli %arg1, %mul3A_11 : i32
    "tpu.region"() ({
      %run_scoped3A = tpu.sem_alloc : memref<!tpu.dma_semaphore, #tpu.memory_space<semaphore_mem>>
      %dma_start3A = arith.constant 0 : i32
      %dma_start3A_27 = tpu.memref_slice %arg2[%arg0, %mul3A_12, %dma_start3A] : memref<2x1280x128xi32, #tpu.memory_space<hbm>> -> memref<1x80x128xi32, #tpu.memory_space<hbm>>
      %dma_start3A_28 = tpu.memref_squeeze %dma_start3A_27 : memref<1x80x128xi32, #tpu.memory_space<hbm>> -> memref<80x128xi32, #tpu.memory_space<hbm>>
      %dma_start3A_29 = arith.constant 0 : i32
      %dma_start3A_30 = tpu.memref_slice %arg2[%arg0, %mul3A_12, %dma_start3A_29] : memref<2x1280x128xi32, #tpu.memory_space<hbm>> -> memref<1x80x128xi32, #tpu.memory_space<hbm>>
      %dma_start3A_31 = tpu.memref_squeeze %dma_start3A_30 : memref<1x80x128xi32, #tpu.memory_space<hbm>> -> memref<80x128xi32, #tpu.memory_space<hbm>>
      tpu.enqueue_dma source(%dma_start3A_31 : memref<80x128xi32, #tpu.memory_space<hbm>>) target(%arg6 : memref<80x128xi32, #tpu.memory_space<vmem>>) target_semaphore(%run_scoped3A : memref<!tpu.dma_semaphore, #tpu.memory_space<semaphore_mem>>)
      %dma_wait3A = arith.constant 0 : i32
      %dma_wait3A_32 = tpu.memref_slice %arg2[%arg0, %mul3A_12, %dma_wait3A] : memref<2x1280x128xi32, #tpu.memory_space<hbm>> -> memref<1x80x128xi32, #tpu.memory_space<hbm>>
      %dma_wait3A_33 = tpu.memref_squeeze %dma_wait3A_32 : memref<1x80x128xi32, #tpu.memory_space<hbm>> -> memref<80x128xi32, #tpu.memory_space<hbm>>
      %dma_wait3A_34 = arith.constant 0 : i32
      %dma_wait3A_35 = tpu.memref_slice %arg2[%arg0, %mul3A_12, %dma_wait3A_34] : memref<2x1280x128xi32, #tpu.memory_space<hbm>> -> memref<1x80x128xi32, #tpu.memory_space<hbm>>
      %dma_wait3A_36 = tpu.memref_squeeze %dma_wait3A_35 : memref<1x80x128xi32, #tpu.memory_space<hbm>> -> memref<80x128xi32, #tpu.memory_space<hbm>>
      tpu.wait_dma2 semaphore(%run_scoped3A : memref<!tpu.dma_semaphore, #tpu.memory_space<semaphore_mem>>) src(%dma_wait3A_36 : memref<80x128xi32, #tpu.memory_space<hbm>>) dst(%arg6 : memref<80x128xi32, #tpu.memory_space<vmem>>)
      tpu.yield
    }) : () -> ()
    %mul3A_13 = arith.constant 80 : i32
    %mul3A_14 = arith.muli %arg1, %mul3A_13 : i32
    "tpu.region"() ({
      %run_scoped3A = tpu.sem_alloc : memref<!tpu.dma_semaphore, #tpu.memory_space<semaphore_mem>>
      %dma_start3A = arith.constant 0 : i32
      %dma_start3A_27 = tpu.memref_slice %arg3[%arg0, %mul3A_14, %dma_start3A] : memref<2x1280x128xi32, #tpu.memory_space<hbm>> -> memref<1x80x128xi32, #tpu.memory_space<hbm>>
      %dma_start3A_28 = tpu.memref_squeeze %dma_start3A_27 : memref<1x80x128xi32, #tpu.memory_space<hbm>> -> memref<80x128xi32, #tpu.memory_space<hbm>>
      %dma_start3A_29 = arith.constant 0 : i32
      %dma_start3A_30 = tpu.memref_slice %arg3[%arg0, %mul3A_14, %dma_start3A_29] : memref<2x1280x128xi32, #tpu.memory_space<hbm>> -> memref<1x80x128xi32, #tpu.memory_space<hbm>>
      %dma_start3A_31 = tpu.memref_squeeze %dma_start3A_30 : memref<1x80x128xi32, #tpu.memory_space<hbm>> -> memref<80x128xi32, #tpu.memory_space<hbm>>
      tpu.enqueue_dma source(%dma_start3A_31 : memref<80x128xi32, #tpu.memory_space<hbm>>) target(%arg7 : memref<80x128xi32, #tpu.memory_space<vmem>>) target_semaphore(%run_scoped3A : memref<!tpu.dma_semaphore, #tpu.memory_space<semaphore_mem>>)
      %dma_wait3A = arith.constant 0 : i32
      %dma_wait3A_32 = tpu.memref_slice %arg3[%arg0, %mul3A_14, %dma_wait3A] : memref<2x1280x128xi32, #tpu.memory_space<hbm>> -> memref<1x80x128xi32, #tpu.memory_space<hbm>>
      %dma_wait3A_33 = tpu.memref_squeeze %dma_wait3A_32 : memref<1x80x128xi32, #tpu.memory_space<hbm>> -> memref<80x128xi32, #tpu.memory_space<hbm>>
      %dma_wait3A_34 = arith.constant 0 : i32
      %dma_wait3A_35 = tpu.memref_slice %arg3[%arg0, %mul3A_14, %dma_wait3A_34] : memref<2x1280x128xi32, #tpu.memory_space<hbm>> -> memref<1x80x128xi32, #tpu.memory_space<hbm>>
      %dma_wait3A_36 = tpu.memref_squeeze %dma_wait3A_35 : memref<1x80x128xi32, #tpu.memory_space<hbm>> -> memref<80x128xi32, #tpu.memory_space<hbm>>
      tpu.wait_dma2 semaphore(%run_scoped3A : memref<!tpu.dma_semaphore, #tpu.memory_space<semaphore_mem>>) src(%dma_wait3A_36 : memref<80x128xi32, #tpu.memory_space<hbm>>) dst(%arg7 : memref<80x128xi32, #tpu.memory_space<vmem>>)
      tpu.yield
    }) : () -> ()
    %barrier3A = arith.constant 0 : index
    tpu.barrier barrier_id(%barrier3A)
    %scan3A_15 = arith.constant 0 : i32
    %scan3A_16 = arith.constant 80 : i32
    %scan3A_17 = arith.addi %scan3A_15, %scan3A_16 : i32
    %scan3A_18 = arith.constant 1 : i32
    scf.for %scan3A_27 = %scan3A_15 to %scan3A_17 step %scan3A_18  : i32 {
      %mul3A_28 = arith.constant 1 : i32
      %mul3A_29 = arith.muli %scan3A_27, %mul3A_28 : i32
      %add3A_30 = arith.constant 0 : i32
      %add3A_31 = arith.addi %add3A_30, %mul3A_29 : i32
      %mul3A_32 = arith.constant 1 : i32
      %mul3A_33 = arith.muli %add3A_31, %mul3A_32 : i32
      %add3A_34 = arith.constant 0 : i32
      %add3A_35 = arith.addi %mul3A_33, %add3A_34 : i32
      %dma_start3A = arith.constant 0 : i32
      %dma_start3A_36 = arith.constant 0 : i32
      %dma_start3A_37 = tpu.memref_slice %arg8[%dma_start3A, %dma_start3A_36] : memref<128x128xf32, #tpu.memory_space<vmem>> -> memref<128x128xf32, #tpu.memory_space<vmem>>
      %dma_start3A_38 = arith.constant 0 : i32
      %dma_start3A_39 = tpu.memref_slice %arg6[%add3A_35, %dma_start3A_38] : memref<80x128xi32, #tpu.memory_space<vmem>> -> memref<1x128xi32, #tpu.memory_space<vmem>>
      %dma_start3A_40 = tpu.memref_squeeze %dma_start3A_39 : memref<1x128xi32, #tpu.memory_space<vmem>> -> memref<128xi32, #tpu.memory_space<vmem>>
      %dma_start3A_41 = arith.constant 0 : i32
      %dma_start3A_42 = arith.constant 0 : i32
      %dma_start3A_43 = tpu.memref_slice %arg4[%dma_start3A_41, %dma_start3A_42] : memref<10000x128xf32, #tpu.memory_space<hbm>> -> memref<10000x128xf32, #tpu.memory_space<hbm>>
      tpu.enqueue_indirect_dma source(%dma_start3A_43 : memref<10000x128xf32, #tpu.memory_space<hbm>>) target(%dma_start3A_37 : memref<128x128xf32, #tpu.memory_space<vmem>>) offsets(%dma_start3A_40 : memref<128xi32, #tpu.memory_space<vmem>>) semaphore(%arg11 : memref<!tpu.dma_semaphore, #tpu.memory_space<semaphore_mem>>)
      %dma_wait3A = arith.constant 0 : i32
      %dma_wait3A_44 = arith.constant 0 : i32
      %dma_wait3A_45 = tpu.memref_slice %arg8[%dma_wait3A, %dma_wait3A_44] : memref<128x128xf32, #tpu.memory_space<vmem>> -> memref<128x128xf32, #tpu.memory_space<vmem>>
      %dma_wait3A_46 = arith.constant 0 : i32
      %dma_wait3A_47 = tpu.memref_slice %arg6[%add3A_35, %dma_wait3A_46] : memref<80x128xi32, #tpu.memory_space<vmem>> -> memref<1x128xi32, #tpu.memory_space<vmem>>
      %dma_wait3A_48 = tpu.memref_squeeze %dma_wait3A_47 : memref<1x128xi32, #tpu.memory_space<vmem>> -> memref<128xi32, #tpu.memory_space<vmem>>
      %dma_wait3A_49 = arith.constant 0 : i32
      %dma_wait3A_50 = arith.constant 0 : i32
      %dma_wait3A_51 = tpu.memref_slice %arg4[%dma_wait3A_49, %dma_wait3A_50] : memref<10000x128xf32, #tpu.memory_space<hbm>> -> memref<10000x128xf32, #tpu.memory_space<hbm>>
      tpu.wait_indirect_dma semaphore(%arg11 : memref<!tpu.dma_semaphore, #tpu.memory_space<semaphore_mem>>) src(%dma_wait3A_51 : memref<10000x128xf32, #tpu.memory_space<hbm>>) dst(%dma_wait3A_45 : memref<128x128xf32, #tpu.memory_space<vmem>>)
      %add3A_52 = arith.constant 0 : i32
      %add3A_53 = arith.addi %mul3A_33, %add3A_52 : i32
      %dma_start3A_54 = arith.constant 0 : i32
      %dma_start3A_55 = arith.constant 0 : i32
      %dma_start3A_56 = tpu.memref_slice %arg8[%dma_start3A_54, %dma_start3A_55] : memref<128x128xf32, #tpu.memory_space<vmem>> -> memref<128x128xf32, #tpu.memory_space<vmem>>
      %dma_start3A_57 = arith.constant 0 : i32
      %dma_start3A_58 = tpu.memref_slice %arg7[%add3A_53, %dma_start3A_57] : memref<80x128xi32, #tpu.memory_space<vmem>> -> memref<1x128xi32, #tpu.memory_space<vmem>>
      %dma_start3A_59 = tpu.memref_squeeze %dma_start3A_58 : memref<1x128xi32, #tpu.memory_space<vmem>> -> memref<128xi32, #tpu.memory_space<vmem>>
      %dma_start3A_60 = arith.constant 0 : i32
      %dma_start3A_61 = arith.constant 0 : i32
      %dma_start3A_62 = tpu.memref_slice %arg10[%dma_start3A_60, %dma_start3A_61] : memref<10240x128xf32, #tpu.memory_space<vmem_shared>> -> memref<10240x128xf32, #tpu.memory_space<vmem_shared>>
      tpu.enqueue_indirect_dma source(%dma_start3A_56 : memref<128x128xf32, #tpu.memory_space<vmem>>) target(%dma_start3A_62 : memref<10240x128xf32, #tpu.memory_space<vmem_shared>>) offsets(%dma_start3A_59 : memref<128xi32, #tpu.memory_space<vmem>>) semaphore(%arg12 : memref<!tpu.dma_semaphore, #tpu.memory_space<semaphore_mem>>) {add = true}
      %dma_wait3A_63 = arith.constant 0 : i32
      %dma_wait3A_64 = arith.constant 0 : i32
      %dma_wait3A_65 = tpu.memref_slice %arg8[%dma_wait3A_63, %dma_wait3A_64] : memref<128x128xf32, #tpu.memory_space<vmem>> -> memref<128x128xf32, #tpu.memory_space<vmem>>
      %dma_wait3A_66 = arith.constant 0 : i32
      %dma_wait3A_67 = tpu.memref_slice %arg7[%add3A_53, %dma_wait3A_66] : memref<80x128xi32, #tpu.memory_space<vmem>> -> memref<1x128xi32, #tpu.memory_space<vmem>>
      %dma_wait3A_68 = tpu.memref_squeeze %dma_wait3A_67 : memref<1x128xi32, #tpu.memory_space<vmem>> -> memref<128xi32, #tpu.memory_space<vmem>>
      %dma_wait3A_69 = arith.constant 0 : i32
      %dma_wait3A_70 = arith.constant 0 : i32
      %dma_wait3A_71 = tpu.memref_slice %arg10[%dma_wait3A_69, %dma_wait3A_70] : memref<10240x128xf32, #tpu.memory_space<vmem_shared>> -> memref<10240x128xf32, #tpu.memory_space<vmem_shared>>
      tpu.wait_indirect_dma semaphore(%arg12 : memref<!tpu.dma_semaphore, #tpu.memory_space<semaphore_mem>>) src(%dma_wait3A_65 : memref<128x128xf32, #tpu.memory_space<vmem>>) dst(%dma_wait3A_71 : memref<10240x128xf32, #tpu.memory_space<vmem_shared>>)
    }
    %scan3A_19 = arith.constant 80 : i32
    %barrier3A_20 = arith.constant 0 : index
    tpu.barrier barrier_id(%barrier3A_20)
    %mul3A_21 = arith.constant 632 : i32
    %mul3A_22 = arith.muli %arg1, %mul3A_21 : i32
    %mul3A_23 = arith.constant 10112 : i32
    %mul3A_24 = arith.muli %arg0, %mul3A_23 : i32
    %mul3A_25 = arith.constant 632 : i32
    %mul3A_26 = arith.muli %arg1, %mul3A_25 : i32
    %add3A = arith.addi %mul3A_24, %mul3A_26 : i32
    "tpu.region"() ({
      %run_scoped3A = tpu.sem_alloc : memref<!tpu.dma_semaphore, #tpu.memory_space<semaphore_mem>>
      %dma_start3A = arith.constant 0 : i32
      %dma_start3A_27 = tpu.memref_slice %arg5[%add3A, %dma_start3A] : memref<20224x128xf32, #tpu.memory_space<hbm>> -> memref<632x128xf32, #tpu.memory_space<hbm>>
      %dma_start3A_28 = arith.constant 0 : i32
      %dma_start3A_29 = tpu.memref_slice %arg10[%mul3A_22, %dma_start3A_28] : memref<10240x128xf32, #tpu.memory_space<vmem_shared>> -> memref<632x128xf32, #tpu.memory_space<vmem_shared>>
      tpu.enqueue_dma source(%dma_start3A_29 : memref<632x128xf32, #tpu.memory_space<vmem_shared>>) target(%dma_start3A_27 : memref<632x128xf32, #tpu.memory_space<hbm>>) target_semaphore(%run_scoped3A : memref<!tpu.dma_semaphore, #tpu.memory_space<semaphore_mem>>)
      %dma_wait3A = arith.constant 0 : i32
      %dma_wait3A_30 = tpu.memref_slice %arg5[%add3A, %dma_wait3A] : memref<20224x128xf32, #tpu.memory_space<hbm>> -> memref<632x128xf32, #tpu.memory_space<hbm>>
      %dma_wait3A_31 = arith.constant 0 : i32
      %dma_wait3A_32 = tpu.memref_slice %arg10[%mul3A_22, %dma_wait3A_31] : memref<10240x128xf32, #tpu.memory_space<vmem_shared>> -> memref<632x128xf32, #tpu.memory_space<vmem_shared>>
      tpu.wait_dma2 semaphore(%run_scoped3A : memref<!tpu.dma_semaphore, #tpu.memory_space<semaphore_mem>>) src(%dma_wait3A_32 : memref<632x128xf32, #tpu.memory_space<vmem_shared>>) dst(%dma_wait3A_30 : memref<632x128xf32, #tpu.memory_space<hbm>>)
      tpu.yield
    }) : () -> ()
    return
  }
}

#map = affine_map<(d0, d1) -> (0, 0, 0)>
#map1 = affine_map<(d0, d1) -> (0, 0)>
module attributes {stable_mosaic.version = 14 : i64} {
  func.func @deg_kernel(%arg0: i32, %arg1: i32, %arg2: memref<2x1280x128xi32, #tpu.memory_space<hbm>>, %arg3: memref<20224x128xf32, #tpu.memory_space<hbm>>, %arg4: memref<80x128xi32, #tpu.memory_space<vmem>>, %arg5: memref<128x128xf32, #tpu.memory_space<vmem>>, %arg6: memref<64x128xf32, #tpu.memory_space<vmem>>, %arg7: memref<10240x128xf32, #tpu.memory_space<vmem_shared>>, %arg8: memref<!tpu.dma_semaphore, #tpu.memory_space<semaphore_mem>>) attributes {dimension_semantics = [#tpu.dimension_semantics<core_parallel>, #tpu.dimension_semantics<subcore_parallel>], iteration_bounds = array<i64: 2, 16>, scalar_prefetch = 0 : i64, scratch_operands = 5 : i64, tpu.core_type = #tpu.core_type<sc_vector_subcore>, window_params = [{transform_indices = #map}, {transform_indices = #map1}]} {
    %broadcast_in_dim3A = arith.constant 1.000000e+00 : f32
    %broadcast_in_dim3A_0 = vector.broadcast %broadcast_in_dim3A : f32 to vector<16xf32>
    %broadcast_in_dim3A_1 = arith.constant 0.000000e+00 : f32
    %broadcast_in_dim3A_2 = vector.broadcast %broadcast_in_dim3A_1 : f32 to vector<16xf32>
    %scan3A = arith.constant 0 : i32
    %scan3A_3 = arith.constant 1024 : i32
    %scan3A_4 = arith.addi %scan3A, %scan3A_3 : i32
    %scan3A_5 = arith.constant 1 : i32
    scf.for %scan3A_32 = %scan3A to %scan3A_4 step %scan3A_5  : i32 {
      %mul3A_33 = arith.constant 1 : i32
      %mul3A_34 = arith.muli %scan3A_32, %mul3A_33 : i32
      %add3A_35 = arith.constant 0 : i32
      %add3A_36 = arith.addi %add3A_35, %mul3A_34 : i32
      %jit3A = arith.constant 8 : i32
      %div3A = arith.divsi %add3A_36, %jit3A : i32
      %sign3A = arith.constant 0 : i32
      %sign3A_37 = arith.cmpi sgt, %add3A_36, %sign3A : i32
      %sign3A_38 = arith.extui %sign3A_37 : i1 to i32
      %sign3A_39 = arith.constant 0 : i32
      %sign3A_40 = arith.cmpi slt, %add3A_36, %sign3A_39 : i32
      %sign3A_41 = arith.extui %sign3A_40 : i1 to i32
      %sign3A_42 = arith.subi %sign3A_38, %sign3A_41 : i32
      %sign3A_43 = arith.constant 0 : i32
      %sign3A_44 = arith.cmpi sgt, %jit3A, %sign3A_43 : i32
      %sign3A_45 = arith.extui %sign3A_44 : i1 to i32
      %sign3A_46 = arith.constant 0 : i32
      %sign3A_47 = arith.cmpi slt, %jit3A, %sign3A_46 : i32
      %sign3A_48 = arith.extui %sign3A_47 : i1 to i32
      %sign3A_49 = arith.subi %sign3A_45, %sign3A_48 : i32
      %ne3A = arith.cmpi ne, %sign3A_42, %sign3A_49 : i32
      %rem3A = arith.remsi %add3A_36, %jit3A : i32
      %ne3A_50 = arith.constant 0 : i32
      %ne3A_51 = arith.cmpi ne, %rem3A, %ne3A_50 : i32
      %and3A = arith.andi %ne3A, %ne3A_51 : i1
      %sub3A = arith.constant 1 : i32
      %sub3A_52 = arith.subi %div3A, %sub3A : i32
      %select_n3A = arith.select %and3A, %sub3A_52, %div3A : i32
      %jit3A_53 = arith.constant 8 : i32
      %eq3A = arith.constant 0 : i32
      %eq3A_54 = arith.cmpi eq, %jit3A_53, %eq3A : i32
      %jit3A_55 = arith.constant 1 : i32
      %select_n3A_56 = arith.select %eq3A_54, %jit3A_55, %jit3A_53 : i32
      %rem3A_57 = arith.remsi %add3A_36, %select_n3A_56 : i32
      %ne3A_58 = arith.constant 0 : i32
      %ne3A_59 = arith.cmpi ne, %rem3A_57, %ne3A_58 : i32
      %lt3A = arith.constant 0 : i32
      %lt3A_60 = arith.cmpi slt, %rem3A_57, %lt3A : i32
      %lt3A_61 = arith.constant 0 : i32
      %lt3A_62 = arith.cmpi slt, %select_n3A_56, %lt3A_61 : i32
      %ne3A_63 = arith.xori %lt3A_60, %lt3A_62 : i1
      %and3A_64 = arith.andi %ne3A_63, %ne3A_59 : i1
      %add3A_65 = arith.addi %rem3A_57, %select_n3A_56 : i32
      %select_n3A_66 = arith.select %and3A_64, %add3A_65, %rem3A_57 : i32
      %mul3A_67 = arith.constant 16 : i32
      %mul3A_68 = arith.muli %select_n3A_66, %mul3A_67 : i32
      %swap3A = arith.index_cast %select_n3A : i32 to index
      %swap3A_69 = arith.index_cast %mul3A_68 : i32 to index
      %swap3A_70 = tpu.vector_load %arg5[%swap3A, %swap3A_69] {strides = array<i32>} : memref<128x128xf32, #tpu.memory_space<vmem>>, vector<1x16xf32>,
      %swap3A_71 = vector.shape_cast %swap3A_70 : vector<1x16xf32> to vector<16xf32>
      %swap3A_72 = vector.shape_cast %broadcast_in_dim3A_0 : vector<16xf32> to vector<1x16xf32>
      tpu.vector_store %arg5[%swap3A, %swap3A_69], %swap3A_72 {strides = array<i32>} : memref<128x128xf32, #tpu.memory_space<vmem>>, vector<1x16xf32>,
    }
    %scan3A_6 = arith.constant 1024 : i32
    %scan3A_7 = arith.constant 0 : i32
    %scan3A_8 = arith.constant 512 : i32
    %scan3A_9 = arith.addi %scan3A_7, %scan3A_8 : i32
    %scan3A_10 = arith.constant 1 : i32
    scf.for %scan3A_32 = %scan3A_7 to %scan3A_9 step %scan3A_10  : i32 {
      %mul3A_33 = arith.constant 1 : i32
      %mul3A_34 = arith.muli %scan3A_32, %mul3A_33 : i32
      %add3A_35 = arith.constant 0 : i32
      %add3A_36 = arith.addi %add3A_35, %mul3A_34 : i32
      %jit3A = arith.constant 8 : i32
      %div3A = arith.divsi %add3A_36, %jit3A : i32
      %sign3A = arith.constant 0 : i32
      %sign3A_37 = arith.cmpi sgt, %add3A_36, %sign3A : i32
      %sign3A_38 = arith.extui %sign3A_37 : i1 to i32
      %sign3A_39 = arith.constant 0 : i32
      %sign3A_40 = arith.cmpi slt, %add3A_36, %sign3A_39 : i32
      %sign3A_41 = arith.extui %sign3A_40 : i1 to i32
      %sign3A_42 = arith.subi %sign3A_38, %sign3A_41 : i32
      %sign3A_43 = arith.constant 0 : i32
      %sign3A_44 = arith.cmpi sgt, %jit3A, %sign3A_43 : i32
      %sign3A_45 = arith.extui %sign3A_44 : i1 to i32
      %sign3A_46 = arith.constant 0 : i32
      %sign3A_47 = arith.cmpi slt, %jit3A, %sign3A_46 : i32
      %sign3A_48 = arith.extui %sign3A_47 : i1 to i32
      %sign3A_49 = arith.subi %sign3A_45, %sign3A_48 : i32
      %ne3A = arith.cmpi ne, %sign3A_42, %sign3A_49 : i32
      %rem3A = arith.remsi %add3A_36, %jit3A : i32
      %ne3A_50 = arith.constant 0 : i32
      %ne3A_51 = arith.cmpi ne, %rem3A, %ne3A_50 : i32
      %and3A = arith.andi %ne3A, %ne3A_51 : i1
      %sub3A = arith.constant 1 : i32
      %sub3A_52 = arith.subi %div3A, %sub3A : i32
      %select_n3A = arith.select %and3A, %sub3A_52, %div3A : i32
      %jit3A_53 = arith.constant 8 : i32
      %eq3A = arith.constant 0 : i32
      %eq3A_54 = arith.cmpi eq, %jit3A_53, %eq3A : i32
      %jit3A_55 = arith.constant 1 : i32
      %select_n3A_56 = arith.select %eq3A_54, %jit3A_55, %jit3A_53 : i32
      %rem3A_57 = arith.remsi %add3A_36, %select_n3A_56 : i32
      %ne3A_58 = arith.constant 0 : i32
      %ne3A_59 = arith.cmpi ne, %rem3A_57, %ne3A_58 : i32
      %lt3A = arith.constant 0 : i32
      %lt3A_60 = arith.cmpi slt, %rem3A_57, %lt3A : i32
      %lt3A_61 = arith.constant 0 : i32
      %lt3A_62 = arith.cmpi slt, %select_n3A_56, %lt3A_61 : i32
      %ne3A_63 = arith.xori %lt3A_60, %lt3A_62 : i1
      %and3A_64 = arith.andi %ne3A_63, %ne3A_59 : i1
      %add3A_65 = arith.addi %rem3A_57, %select_n3A_56 : i32
      %select_n3A_66 = arith.select %and3A_64, %add3A_65, %rem3A_57 : i32
      %mul3A_67 = arith.constant 16 : i32
      %mul3A_68 = arith.muli %select_n3A_66, %mul3A_67 : i32
      %swap3A = arith.index_cast %select_n3A : i32 to index
      %swap3A_69 = arith.index_cast %mul3A_68 : i32 to index
      %swap3A_70 = tpu.vector_load %arg6[%swap3A, %swap3A_69] {strides = array<i32>} : memref<64x128xf32, #tpu.memory_space<vmem>>, vector<1x16xf32>,
      %swap3A_71 = vector.shape_cast %swap3A_70 : vector<1x16xf32> to vector<16xf32>
      %swap3A_72 = vector.shape_cast %broadcast_in_dim3A_2 : vector<16xf32> to vector<1x16xf32>
      tpu.vector_store %arg6[%swap3A, %swap3A_69], %swap3A_72 {strides = array<i32>} : memref<64x128xf32, #tpu.memory_space<vmem>>, vector<1x16xf32>,
    }
    %scan3A_11 = arith.constant 512 : i32
    %mul3A = arith.constant 640 : i32
    %mul3A_12 = arith.muli %arg1, %mul3A : i32
    %scan3A_13 = arith.constant 0 : i32
    %scan3A_14 = arith.constant 10 : i32
    %scan3A_15 = arith.addi %scan3A_13, %scan3A_14 : i32
    %scan3A_16 = arith.constant 1 : i32
    scf.for %scan3A_32 = %scan3A_13 to %scan3A_15 step %scan3A_16  : i32 {
      %mul3A_33 = arith.constant 1 : i32
      %mul3A_34 = arith.muli %scan3A_32, %mul3A_33 : i32
      %add3A_35 = arith.constant 0 : i32
      %add3A_36 = arith.addi %add3A_35, %mul3A_34 : i32
      %mul3A_37 = arith.constant 64 : i32
      %mul3A_38 = arith.muli %add3A_36, %mul3A_37 : i32
      %add3A_39 = arith.addi %mul3A_12, %mul3A_38 : i32
      "tpu.region"() ({
        %run_scoped3A = tpu.sem_alloc : memref<!tpu.dma_semaphore, #tpu.memory_space<semaphore_mem>>
        %dma_start3A = arith.constant 0 : i32
        %dma_start3A_40 = tpu.memref_slice %arg7[%add3A_39, %dma_start3A] : memref<10240x128xf32, #tpu.memory_space<vmem_shared>> -> memref<64x128xf32, #tpu.memory_space<vmem_shared>>
        %dma_start3A_41 = arith.constant 0 : i32
        %dma_start3A_42 = tpu.memref_slice %arg7[%add3A_39, %dma_start3A_41] : memref<10240x128xf32, #tpu.memory_space<vmem_shared>> -> memref<64x128xf32, #tpu.memory_space<vmem_shared>>
        tpu.enqueue_dma source(%arg6 : memref<64x128xf32, #tpu.memory_space<vmem>>) target(%dma_start3A_42 : memref<64x128xf32, #tpu.memory_space<vmem_shared>>) target_semaphore(%run_scoped3A : memref<!tpu.dma_semaphore, #tpu.memory_space<semaphore_mem>>)
        %dma_wait3A = arith.constant 0 : i32
        %dma_wait3A_43 = tpu.memref_slice %arg7[%add3A_39, %dma_wait3A] : memref<10240x128xf32, #tpu.memory_space<vmem_shared>> -> memref<64x128xf32, #tpu.memory_space<vmem_shared>>
        %dma_wait3A_44 = arith.constant 0 : i32
        %dma_wait3A_45 = tpu.memref_slice %arg7[%add3A_39, %dma_wait3A_44] : memref<10240x128xf32, #tpu.memory_space<vmem_shared>> -> memref<64x128xf32, #tpu.memory_space<vmem_shared>>
        tpu.wait_dma2 semaphore(%run_scoped3A : memref<!tpu.dma_semaphore, #tpu.memory_space<semaphore_mem>>) src(%arg6 : memref<64x128xf32, #tpu.memory_space<vmem>>) dst(%dma_wait3A_45 : memref<64x128xf32, #tpu.memory_space<vmem_shared>>)
        tpu.yield
      }) : () -> ()
    }
    %scan3A_17 = arith.constant 10 : i32
    %mul3A_18 = arith.constant 80 : i32
    %mul3A_19 = arith.muli %arg1, %mul3A_18 : i32
    "tpu.region"() ({
      %run_scoped3A = tpu.sem_alloc : memref<!tpu.dma_semaphore, #tpu.memory_space<semaphore_mem>>
      %dma_start3A = arith.constant 0 : i32
      %dma_start3A_32 = tpu.memref_slice %arg2[%arg0, %mul3A_19, %dma_start3A] : memref<2x1280x128xi32, #tpu.memory_space<hbm>> -> memref<1x80x128xi32, #tpu.memory_space<hbm>>
      %dma_start3A_33 = tpu.memref_squeeze %dma_start3A_32 : memref<1x80x128xi32, #tpu.memory_space<hbm>> -> memref<80x128xi32, #tpu.memory_space<hbm>>
      %dma_start3A_34 = arith.constant 0 : i32
      %dma_start3A_35 = tpu.memref_slice %arg2[%arg0, %mul3A_19, %dma_start3A_34] : memref<2x1280x128xi32, #tpu.memory_space<hbm>> -> memref<1x80x128xi32, #tpu.memory_space<hbm>>
      %dma_start3A_36 = tpu.memref_squeeze %dma_start3A_35 : memref<1x80x128xi32, #tpu.memory_space<hbm>> -> memref<80x128xi32, #tpu.memory_space<hbm>>
      tpu.enqueue_dma source(%dma_start3A_36 : memref<80x128xi32, #tpu.memory_space<hbm>>) target(%arg4 : memref<80x128xi32, #tpu.memory_space<vmem>>) target_semaphore(%run_scoped3A : memref<!tpu.dma_semaphore, #tpu.memory_space<semaphore_mem>>)
      %dma_wait3A = arith.constant 0 : i32
      %dma_wait3A_37 = tpu.memref_slice %arg2[%arg0, %mul3A_19, %dma_wait3A] : memref<2x1280x128xi32, #tpu.memory_space<hbm>> -> memref<1x80x128xi32, #tpu.memory_space<hbm>>
      %dma_wait3A_38 = tpu.memref_squeeze %dma_wait3A_37 : memref<1x80x128xi32, #tpu.memory_space<hbm>> -> memref<80x128xi32, #tpu.memory_space<hbm>>
      %dma_wait3A_39 = arith.constant 0 : i32
      %dma_wait3A_40 = tpu.memref_slice %arg2[%arg0, %mul3A_19, %dma_wait3A_39] : memref<2x1280x128xi32, #tpu.memory_space<hbm>> -> memref<1x80x128xi32, #tpu.memory_space<hbm>>
      %dma_wait3A_41 = tpu.memref_squeeze %dma_wait3A_40 : memref<1x80x128xi32, #tpu.memory_space<hbm>> -> memref<80x128xi32, #tpu.memory_space<hbm>>
      tpu.wait_dma2 semaphore(%run_scoped3A : memref<!tpu.dma_semaphore, #tpu.memory_space<semaphore_mem>>) src(%dma_wait3A_41 : memref<80x128xi32, #tpu.memory_space<hbm>>) dst(%arg4 : memref<80x128xi32, #tpu.memory_space<vmem>>)
      tpu.yield
    }) : () -> ()
    %barrier3A = arith.constant 0 : index
    tpu.barrier barrier_id(%barrier3A)
    %scan3A_20 = arith.constant 0 : i32
    %scan3A_21 = arith.constant 80 : i32
    %scan3A_22 = arith.addi %scan3A_20, %scan3A_21 : i32
    %scan3A_23 = arith.constant 1 : i32
    scf.for %scan3A_32 = %scan3A_20 to %scan3A_22 step %scan3A_23  : i32 {
      %mul3A_33 = arith.constant 1 : i32
      %mul3A_34 = arith.muli %scan3A_32, %mul3A_33 : i32
      %add3A_35 = arith.constant 0 : i32
      %add3A_36 = arith.addi %add3A_35, %mul3A_34 : i32
      %mul3A_37 = arith.constant 1 : i32
      %mul3A_38 = arith.muli %add3A_36, %mul3A_37 : i32
      %add3A_39 = arith.constant 0 : i32
      %add3A_40 = arith.addi %mul3A_38, %add3A_39 : i32
      %dma_start3A = arith.constant 0 : i32
      %dma_start3A_41 = arith.constant 0 : i32
      %dma_start3A_42 = tpu.memref_slice %arg5[%dma_start3A, %dma_start3A_41] : memref<128x128xf32, #tpu.memory_space<vmem>> -> memref<128x128xf32, #tpu.memory_space<vmem>>
      %dma_start3A_43 = arith.constant 0 : i32
      %dma_start3A_44 = tpu.memref_slice %arg4[%add3A_40, %dma_start3A_43] : memref<80x128xi32, #tpu.memory_space<vmem>> -> memref<1x128xi32, #tpu.memory_space<vmem>>
      %dma_start3A_45 = tpu.memref_squeeze %dma_start3A_44 : memref<1x128xi32, #tpu.memory_space<vmem>> -> memref<128xi32, #tpu.memory_space<vmem>>
      %dma_start3A_46 = arith.constant 0 : i32
      %dma_start3A_47 = arith.constant 0 : i32
      %dma_start3A_48 = tpu.memref_slice %arg7[%dma_start3A_46, %dma_start3A_47] : memref<10240x128xf32, #tpu.memory_space<vmem_shared>> -> memref<10240x128xf32, #tpu.memory_space<vmem_shared>>
      tpu.enqueue_indirect_dma source(%dma_start3A_42 : memref<128x128xf32, #tpu.memory_space<vmem>>) target(%dma_start3A_48 : memref<10240x128xf32, #tpu.memory_space<vmem_shared>>) offsets(%dma_start3A_45 : memref<128xi32, #tpu.memory_space<vmem>>) semaphore(%arg8 : memref<!tpu.dma_semaphore, #tpu.memory_space<semaphore_mem>>) {add = true}
      %dma_wait3A = arith.constant 0 : i32
      %dma_wait3A_49 = arith.constant 0 : i32
      %dma_wait3A_50 = tpu.memref_slice %arg5[%dma_wait3A, %dma_wait3A_49] : memref<128x128xf32, #tpu.memory_space<vmem>> -> memref<128x128xf32, #tpu.memory_space<vmem>>
      %dma_wait3A_51 = arith.constant 0 : i32
      %dma_wait3A_52 = tpu.memref_slice %arg4[%add3A_40, %dma_wait3A_51] : memref<80x128xi32, #tpu.memory_space<vmem>> -> memref<1x128xi32, #tpu.memory_space<vmem>>
      %dma_wait3A_53 = tpu.memref_squeeze %dma_wait3A_52 : memref<1x128xi32, #tpu.memory_space<vmem>> -> memref<128xi32, #tpu.memory_space<vmem>>
      %dma_wait3A_54 = arith.constant 0 : i32
      %dma_wait3A_55 = arith.constant 0 : i32
      %dma_wait3A_56 = tpu.memref_slice %arg7[%dma_wait3A_54, %dma_wait3A_55] : memref<10240x128xf32, #tpu.memory_space<vmem_shared>> -> memref<10240x128xf32, #tpu.memory_space<vmem_shared>>
      tpu.wait_indirect_dma semaphore(%arg8 : memref<!tpu.dma_semaphore, #tpu.memory_space<semaphore_mem>>) src(%dma_wait3A_50 : memref<128x128xf32, #tpu.memory_space<vmem>>) dst(%dma_wait3A_56 : memref<10240x128xf32, #tpu.memory_space<vmem_shared>>)
    }
    %scan3A_24 = arith.constant 80 : i32
    %barrier3A_25 = arith.constant 0 : index
    tpu.barrier barrier_id(%barrier3A_25)
    %mul3A_26 = arith.constant 632 : i32
    %mul3A_27 = arith.muli %arg1, %mul3A_26 : i32
    %mul3A_28 = arith.constant 10112 : i32
    %mul3A_29 = arith.muli %arg0, %mul3A_28 : i32
    %mul3A_30 = arith.constant 632 : i32
    %mul3A_31 = arith.muli %arg1, %mul3A_30 : i32
    %add3A = arith.addi %mul3A_29, %mul3A_31 : i32
    "tpu.region"() ({
      %run_scoped3A = tpu.sem_alloc : memref<!tpu.dma_semaphore, #tpu.memory_space<semaphore_mem>>
      %dma_start3A = arith.constant 0 : i32
      %dma_start3A_32 = tpu.memref_slice %arg3[%add3A, %dma_start3A] : memref<20224x128xf32, #tpu.memory_space<hbm>> -> memref<632x128xf32, #tpu.memory_space<hbm>>
      %dma_start3A_33 = arith.constant 0 : i32
      %dma_start3A_34 = tpu.memref_slice %arg7[%mul3A_27, %dma_start3A_33] : memref<10240x128xf32, #tpu.memory_space<vmem_shared>> -> memref<632x128xf32, #tpu.memory_space<vmem_shared>>
      tpu.enqueue_dma source(%dma_start3A_34 : memref<632x128xf32, #tpu.memory_space<vmem_shared>>) target(%dma_start3A_32 : memref<632x128xf32, #tpu.memory_space<hbm>>) target_semaphore(%run_scoped3A : memref<!tpu.dma_semaphore, #tpu.memory_space<semaphore_mem>>)
      %dma_wait3A = arith.constant 0 : i32
      %dma_wait3A_35 = tpu.memref_slice %arg3[%add3A, %dma_wait3A] : memref<20224x128xf32, #tpu.memory_space<hbm>> -> memref<632x128xf32, #tpu.memory_space<hbm>>
      %dma_wait3A_36 = arith.constant 0 : i32
      %dma_wait3A_37 = tpu.memref_slice %arg7[%mul3A_27, %dma_wait3A_36] : memref<10240x128xf32, #tpu.memory_space<vmem_shared>> -> memref<632x128xf32, #tpu.memory_space<vmem_shared>>
      tpu.wait_dma2 semaphore(%run_scoped3A : memref<!tpu.dma_semaphore, #tpu.memory_space<semaphore_mem>>) src(%dma_wait3A_37 : memref<632x128xf32, #tpu.memory_space<vmem_shared>>) dst(%dma_wait3A_35 : memref<632x128xf32, #tpu.memory_space<hbm>>)
      tpu.yield
    }) : () -> ()
    return
  }
}

#map = affine_map<(d0, d1) -> (0, 0, 0)>
#map1 = affine_map<(d0, d1) -> (0, 0)>
module attributes {stable_mosaic.version = 14 : i64} {
  func.func @msg_kernel(%arg0: i32, %arg1: i32, %arg2: memref<2x1280x128xi32, #tpu.memory_space<hbm>>, %arg3: memref<2x1280x128xi32, #tpu.memory_space<hbm>>, %arg4: memref<10000x128xf32, #tpu.memory_space<hbm>>, %arg5: memref<20224x128xf32, #tpu.memory_space<hbm>>, %arg6: memref<80x128xi32, #tpu.memory_space<vmem>>, %arg7: memref<80x128xi32, #tpu.memory_space<vmem>>, %arg8: memref<128x128xf32, #tpu.memory_space<vmem>>, %arg9: memref<64x128xf32, #tpu.memory_space<vmem>>, %arg10: memref<10240x128xf32, #tpu.memory_space<vmem_shared>>, %arg11: memref<!tpu.dma_semaphore, #tpu.memory_space<semaphore_mem>>, %arg12: memref<!tpu.dma_semaphore, #tpu.memory_space<semaphore_mem>>) attributes {dimension_semantics = [#tpu.dimension_semantics<core_parallel>, #tpu.dimension_semantics<subcore_parallel>], iteration_bounds = array<i64: 2, 16>, scalar_prefetch = 0 : i64, scratch_operands = 7 : i64, tpu.core_type = #tpu.core_type<sc_vector_subcore>, window_params = [{transform_indices = #map}, {transform_indices = #map}, {transform_indices = #map1}, {transform_indices = #map1}]} {
    %broadcast_in_dim3A = arith.constant 0.000000e+00 : f32
    %broadcast_in_dim3A_0 = vector.broadcast %broadcast_in_dim3A : f32 to vector<16xf32>
    %scan3A = arith.constant 0 : i32
    %scan3A_1 = arith.constant 512 : i32
    %scan3A_2 = arith.addi %scan3A, %scan3A_1 : i32
    %scan3A_3 = arith.constant 1 : i32
    scf.for %scan3A_27 = %scan3A to %scan3A_2 step %scan3A_3  : i32 {
      %mul3A_28 = arith.constant 1 : i32
      %mul3A_29 = arith.muli %scan3A_27, %mul3A_28 : i32
      %add3A_30 = arith.constant 0 : i32
      %add3A_31 = arith.addi %add3A_30, %mul3A_29 : i32
      %jit3A = arith.constant 8 : i32
      %div3A = arith.divsi %add3A_31, %jit3A : i32
      %sign3A = arith.constant 0 : i32
      %sign3A_32 = arith.cmpi sgt, %add3A_31, %sign3A : i32
      %sign3A_33 = arith.extui %sign3A_32 : i1 to i32
      %sign3A_34 = arith.constant 0 : i32
      %sign3A_35 = arith.cmpi slt, %add3A_31, %sign3A_34 : i32
      %sign3A_36 = arith.extui %sign3A_35 : i1 to i32
      %sign3A_37 = arith.subi %sign3A_33, %sign3A_36 : i32
      %sign3A_38 = arith.constant 0 : i32
      %sign3A_39 = arith.cmpi sgt, %jit3A, %sign3A_38 : i32
      %sign3A_40 = arith.extui %sign3A_39 : i1 to i32
      %sign3A_41 = arith.constant 0 : i32
      %sign3A_42 = arith.cmpi slt, %jit3A, %sign3A_41 : i32
      %sign3A_43 = arith.extui %sign3A_42 : i1 to i32
      %sign3A_44 = arith.subi %sign3A_40, %sign3A_43 : i32
      %ne3A = arith.cmpi ne, %sign3A_37, %sign3A_44 : i32
      %rem3A = arith.remsi %add3A_31, %jit3A : i32
      %ne3A_45 = arith.constant 0 : i32
      %ne3A_46 = arith.cmpi ne, %rem3A, %ne3A_45 : i32
      %and3A = arith.andi %ne3A, %ne3A_46 : i1
      %sub3A = arith.constant 1 : i32
      %sub3A_47 = arith.subi %div3A, %sub3A : i32
      %select_n3A = arith.select %and3A, %sub3A_47, %div3A : i32
      %jit3A_48 = arith.constant 8 : i32
      %eq3A = arith.constant 0 : i32
      %eq3A_49 = arith.cmpi eq, %jit3A_48, %eq3A : i32
      %jit3A_50 = arith.constant 1 : i32
      %select_n3A_51 = arith.select %eq3A_49, %jit3A_50, %jit3A_48 : i32
      %rem3A_52 = arith.remsi %add3A_31, %select_n3A_51 : i32
      %ne3A_53 = arith.constant 0 : i32
      %ne3A_54 = arith.cmpi ne, %rem3A_52, %ne3A_53 : i32
      %lt3A = arith.constant 0 : i32
      %lt3A_55 = arith.cmpi slt, %rem3A_52, %lt3A : i32
      %lt3A_56 = arith.constant 0 : i32
      %lt3A_57 = arith.cmpi slt, %select_n3A_51, %lt3A_56 : i32
      %ne3A_58 = arith.xori %lt3A_55, %lt3A_57 : i1
      %and3A_59 = arith.andi %ne3A_58, %ne3A_54 : i1
      %add3A_60 = arith.addi %rem3A_52, %select_n3A_51 : i32
      %select_n3A_61 = arith.select %and3A_59, %add3A_60, %rem3A_52 : i32
      %mul3A_62 = arith.constant 16 : i32
      %mul3A_63 = arith.muli %select_n3A_61, %mul3A_62 : i32
      %swap3A = arith.index_cast %select_n3A : i32 to index
      %swap3A_64 = arith.index_cast %mul3A_63 : i32 to index
      %swap3A_65 = tpu.vector_load %arg9[%swap3A, %swap3A_64] {strides = array<i32>} : memref<64x128xf32, #tpu.memory_space<vmem>>, vector<1x16xf32>,
      %swap3A_66 = vector.shape_cast %swap3A_65 : vector<1x16xf32> to vector<16xf32>
      %swap3A_67 = vector.shape_cast %broadcast_in_dim3A_0 : vector<16xf32> to vector<1x16xf32>
      tpu.vector_store %arg9[%swap3A, %swap3A_64], %swap3A_67 {strides = array<i32>} : memref<64x128xf32, #tpu.memory_space<vmem>>, vector<1x16xf32>,
    }
    %scan3A_4 = arith.constant 512 : i32
    %mul3A = arith.constant 640 : i32
    %mul3A_5 = arith.muli %arg1, %mul3A : i32
    %scan3A_6 = arith.constant 0 : i32
    %scan3A_7 = arith.constant 10 : i32
    %scan3A_8 = arith.addi %scan3A_6, %scan3A_7 : i32
    %scan3A_9 = arith.constant 1 : i32
    scf.for %scan3A_27 = %scan3A_6 to %scan3A_8 step %scan3A_9  : i32 {
      %mul3A_28 = arith.constant 1 : i32
      %mul3A_29 = arith.muli %scan3A_27, %mul3A_28 : i32
      %add3A_30 = arith.constant 0 : i32
      %add3A_31 = arith.addi %add3A_30, %mul3A_29 : i32
      %mul3A_32 = arith.constant 64 : i32
      %mul3A_33 = arith.muli %add3A_31, %mul3A_32 : i32
      %add3A_34 = arith.addi %mul3A_5, %mul3A_33 : i32
      "tpu.region"() ({
        %run_scoped3A = tpu.sem_alloc : memref<!tpu.dma_semaphore, #tpu.memory_space<semaphore_mem>>
        %dma_start3A = arith.constant 0 : i32
        %dma_start3A_35 = tpu.memref_slice %arg10[%add3A_34, %dma_start3A] : memref<10240x128xf32, #tpu.memory_space<vmem_shared>> -> memref<64x128xf32, #tpu.memory_space<vmem_shared>>
        %dma_start3A_36 = arith.constant 0 : i32
        %dma_start3A_37 = tpu.memref_slice %arg10[%add3A_34, %dma_start3A_36] : memref<10240x128xf32, #tpu.memory_space<vmem_shared>> -> memref<64x128xf32, #tpu.memory_space<vmem_shared>>
        tpu.enqueue_dma source(%arg9 : memref<64x128xf32, #tpu.memory_space<vmem>>) target(%dma_start3A_37 : memref<64x128xf32, #tpu.memory_space<vmem_shared>>) target_semaphore(%run_scoped3A : memref<!tpu.dma_semaphore, #tpu.memory_space<semaphore_mem>>)
        %dma_wait3A = arith.constant 0 : i32
        %dma_wait3A_38 = tpu.memref_slice %arg10[%add3A_34, %dma_wait3A] : memref<10240x128xf32, #tpu.memory_space<vmem_shared>> -> memref<64x128xf32, #tpu.memory_space<vmem_shared>>
        %dma_wait3A_39 = arith.constant 0 : i32
        %dma_wait3A_40 = tpu.memref_slice %arg10[%add3A_34, %dma_wait3A_39] : memref<10240x128xf32, #tpu.memory_space<vmem_shared>> -> memref<64x128xf32, #tpu.memory_space<vmem_shared>>
        tpu.wait_dma2 semaphore(%run_scoped3A : memref<!tpu.dma_semaphore, #tpu.memory_space<semaphore_mem>>) src(%arg9 : memref<64x128xf32, #tpu.memory_space<vmem>>) dst(%dma_wait3A_40 : memref<64x128xf32, #tpu.memory_space<vmem_shared>>)
        tpu.yield
      }) : () -> ()
    }
    %scan3A_10 = arith.constant 10 : i32
    %mul3A_11 = arith.constant 80 : i32
    %mul3A_12 = arith.muli %arg1, %mul3A_11 : i32
    "tpu.region"() ({
      %run_scoped3A = tpu.sem_alloc : memref<!tpu.dma_semaphore, #tpu.memory_space<semaphore_mem>>
      %dma_start3A = arith.constant 0 : i32
      %dma_start3A_27 = tpu.memref_slice %arg2[%arg0, %mul3A_12, %dma_start3A] : memref<2x1280x128xi32, #tpu.memory_space<hbm>> -> memref<1x80x128xi32, #tpu.memory_space<hbm>>
      %dma_start3A_28 = tpu.memref_squeeze %dma_start3A_27 : memref<1x80x128xi32, #tpu.memory_space<hbm>> -> memref<80x128xi32, #tpu.memory_space<hbm>>
      %dma_start3A_29 = arith.constant 0 : i32
      %dma_start3A_30 = tpu.memref_slice %arg2[%arg0, %mul3A_12, %dma_start3A_29] : memref<2x1280x128xi32, #tpu.memory_space<hbm>> -> memref<1x80x128xi32, #tpu.memory_space<hbm>>
      %dma_start3A_31 = tpu.memref_squeeze %dma_start3A_30 : memref<1x80x128xi32, #tpu.memory_space<hbm>> -> memref<80x128xi32, #tpu.memory_space<hbm>>
      tpu.enqueue_dma source(%dma_start3A_31 : memref<80x128xi32, #tpu.memory_space<hbm>>) target(%arg6 : memref<80x128xi32, #tpu.memory_space<vmem>>) target_semaphore(%run_scoped3A : memref<!tpu.dma_semaphore, #tpu.memory_space<semaphore_mem>>)
      %dma_wait3A = arith.constant 0 : i32
      %dma_wait3A_32 = tpu.memref_slice %arg2[%arg0, %mul3A_12, %dma_wait3A] : memref<2x1280x128xi32, #tpu.memory_space<hbm>> -> memref<1x80x128xi32, #tpu.memory_space<hbm>>
      %dma_wait3A_33 = tpu.memref_squeeze %dma_wait3A_32 : memref<1x80x128xi32, #tpu.memory_space<hbm>> -> memref<80x128xi32, #tpu.memory_space<hbm>>
      %dma_wait3A_34 = arith.constant 0 : i32
      %dma_wait3A_35 = tpu.memref_slice %arg2[%arg0, %mul3A_12, %dma_wait3A_34] : memref<2x1280x128xi32, #tpu.memory_space<hbm>> -> memref<1x80x128xi32, #tpu.memory_space<hbm>>
      %dma_wait3A_36 = tpu.memref_squeeze %dma_wait3A_35 : memref<1x80x128xi32, #tpu.memory_space<hbm>> -> memref<80x128xi32, #tpu.memory_space<hbm>>
      tpu.wait_dma2 semaphore(%run_scoped3A : memref<!tpu.dma_semaphore, #tpu.memory_space<semaphore_mem>>) src(%dma_wait3A_36 : memref<80x128xi32, #tpu.memory_space<hbm>>) dst(%arg6 : memref<80x128xi32, #tpu.memory_space<vmem>>)
      tpu.yield
    }) : () -> ()
    %mul3A_13 = arith.constant 80 : i32
    %mul3A_14 = arith.muli %arg1, %mul3A_13 : i32
    "tpu.region"() ({
      %run_scoped3A = tpu.sem_alloc : memref<!tpu.dma_semaphore, #tpu.memory_space<semaphore_mem>>
      %dma_start3A = arith.constant 0 : i32
      %dma_start3A_27 = tpu.memref_slice %arg3[%arg0, %mul3A_14, %dma_start3A] : memref<2x1280x128xi32, #tpu.memory_space<hbm>> -> memref<1x80x128xi32, #tpu.memory_space<hbm>>
      %dma_start3A_28 = tpu.memref_squeeze %dma_start3A_27 : memref<1x80x128xi32, #tpu.memory_space<hbm>> -> memref<80x128xi32, #tpu.memory_space<hbm>>
      %dma_start3A_29 = arith.constant 0 : i32
      %dma_start3A_30 = tpu.memref_slice %arg3[%arg0, %mul3A_14, %dma_start3A_29] : memref<2x1280x128xi32, #tpu.memory_space<hbm>> -> memref<1x80x128xi32, #tpu.memory_space<hbm>>
      %dma_start3A_31 = tpu.memref_squeeze %dma_start3A_30 : memref<1x80x128xi32, #tpu.memory_space<hbm>> -> memref<80x128xi32, #tpu.memory_space<hbm>>
      tpu.enqueue_dma source(%dma_start3A_31 : memref<80x128xi32, #tpu.memory_space<hbm>>) target(%arg7 : memref<80x128xi32, #tpu.memory_space<vmem>>) target_semaphore(%run_scoped3A : memref<!tpu.dma_semaphore, #tpu.memory_space<semaphore_mem>>)
      %dma_wait3A = arith.constant 0 : i32
      %dma_wait3A_32 = tpu.memref_slice %arg3[%arg0, %mul3A_14, %dma_wait3A] : memref<2x1280x128xi32, #tpu.memory_space<hbm>> -> memref<1x80x128xi32, #tpu.memory_space<hbm>>
      %dma_wait3A_33 = tpu.memref_squeeze %dma_wait3A_32 : memref<1x80x128xi32, #tpu.memory_space<hbm>> -> memref<80x128xi32, #tpu.memory_space<hbm>>
      %dma_wait3A_34 = arith.constant 0 : i32
      %dma_wait3A_35 = tpu.memref_slice %arg3[%arg0, %mul3A_14, %dma_wait3A_34] : memref<2x1280x128xi32, #tpu.memory_space<hbm>> -> memref<1x80x128xi32, #tpu.memory_space<hbm>>
      %dma_wait3A_36 = tpu.memref_squeeze %dma_wait3A_35 : memref<1x80x128xi32, #tpu.memory_space<hbm>> -> memref<80x128xi32, #tpu.memory_space<hbm>>
      tpu.wait_dma2 semaphore(%run_scoped3A : memref<!tpu.dma_semaphore, #tpu.memory_space<semaphore_mem>>) src(%dma_wait3A_36 : memref<80x128xi32, #tpu.memory_space<hbm>>) dst(%arg7 : memref<80x128xi32, #tpu.memory_space<vmem>>)
      tpu.yield
    }) : () -> ()
    %barrier3A = arith.constant 0 : index
    tpu.barrier barrier_id(%barrier3A)
    %scan3A_15 = arith.constant 0 : i32
    %scan3A_16 = arith.constant 80 : i32
    %scan3A_17 = arith.addi %scan3A_15, %scan3A_16 : i32
    %scan3A_18 = arith.constant 1 : i32
    scf.for %scan3A_27 = %scan3A_15 to %scan3A_17 step %scan3A_18  : i32 {
      %mul3A_28 = arith.constant 1 : i32
      %mul3A_29 = arith.muli %scan3A_27, %mul3A_28 : i32
      %add3A_30 = arith.constant 0 : i32
      %add3A_31 = arith.addi %add3A_30, %mul3A_29 : i32
      %mul3A_32 = arith.constant 1 : i32
      %mul3A_33 = arith.muli %add3A_31, %mul3A_32 : i32
      %add3A_34 = arith.constant 0 : i32
      %add3A_35 = arith.addi %mul3A_33, %add3A_34 : i32
      %dma_start3A = arith.constant 0 : i32
      %dma_start3A_36 = arith.constant 0 : i32
      %dma_start3A_37 = tpu.memref_slice %arg8[%dma_start3A, %dma_start3A_36] : memref<128x128xf32, #tpu.memory_space<vmem>> -> memref<128x128xf32, #tpu.memory_space<vmem>>
      %dma_start3A_38 = arith.constant 0 : i32
      %dma_start3A_39 = tpu.memref_slice %arg6[%add3A_35, %dma_start3A_38] : memref<80x128xi32, #tpu.memory_space<vmem>> -> memref<1x128xi32, #tpu.memory_space<vmem>>
      %dma_start3A_40 = tpu.memref_squeeze %dma_start3A_39 : memref<1x128xi32, #tpu.memory_space<vmem>> -> memref<128xi32, #tpu.memory_space<vmem>>
      %dma_start3A_41 = arith.constant 0 : i32
      %dma_start3A_42 = arith.constant 0 : i32
      %dma_start3A_43 = tpu.memref_slice %arg4[%dma_start3A_41, %dma_start3A_42] : memref<10000x128xf32, #tpu.memory_space<hbm>> -> memref<10000x128xf32, #tpu.memory_space<hbm>>
      tpu.enqueue_indirect_dma source(%dma_start3A_43 : memref<10000x128xf32, #tpu.memory_space<hbm>>) target(%dma_start3A_37 : memref<128x128xf32, #tpu.memory_space<vmem>>) offsets(%dma_start3A_40 : memref<128xi32, #tpu.memory_space<vmem>>) semaphore(%arg11 : memref<!tpu.dma_semaphore, #tpu.memory_space<semaphore_mem>>)
      %dma_wait3A = arith.constant 0 : i32
      %dma_wait3A_44 = arith.constant 0 : i32
      %dma_wait3A_45 = tpu.memref_slice %arg8[%dma_wait3A, %dma_wait3A_44] : memref<128x128xf32, #tpu.memory_space<vmem>> -> memref<128x128xf32, #tpu.memory_space<vmem>>
      %dma_wait3A_46 = arith.constant 0 : i32
      %dma_wait3A_47 = tpu.memref_slice %arg6[%add3A_35, %dma_wait3A_46] : memref<80x128xi32, #tpu.memory_space<vmem>> -> memref<1x128xi32, #tpu.memory_space<vmem>>
      %dma_wait3A_48 = tpu.memref_squeeze %dma_wait3A_47 : memref<1x128xi32, #tpu.memory_space<vmem>> -> memref<128xi32, #tpu.memory_space<vmem>>
      %dma_wait3A_49 = arith.constant 0 : i32
      %dma_wait3A_50 = arith.constant 0 : i32
      %dma_wait3A_51 = tpu.memref_slice %arg4[%dma_wait3A_49, %dma_wait3A_50] : memref<10000x128xf32, #tpu.memory_space<hbm>> -> memref<10000x128xf32, #tpu.memory_space<hbm>>
      tpu.wait_indirect_dma semaphore(%arg11 : memref<!tpu.dma_semaphore, #tpu.memory_space<semaphore_mem>>) src(%dma_wait3A_51 : memref<10000x128xf32, #tpu.memory_space<hbm>>) dst(%dma_wait3A_45 : memref<128x128xf32, #tpu.memory_space<vmem>>)
      %add3A_52 = arith.constant 0 : i32
      %add3A_53 = arith.addi %mul3A_33, %add3A_52 : i32
      %dma_start3A_54 = arith.constant 0 : i32
      %dma_start3A_55 = arith.constant 0 : i32
      %dma_start3A_56 = tpu.memref_slice %arg8[%dma_start3A_54, %dma_start3A_55] : memref<128x128xf32, #tpu.memory_space<vmem>> -> memref<128x128xf32, #tpu.memory_space<vmem>>
      %dma_start3A_57 = arith.constant 0 : i32
      %dma_start3A_58 = tpu.memref_slice %arg7[%add3A_53, %dma_start3A_57] : memref<80x128xi32, #tpu.memory_space<vmem>> -> memref<1x128xi32, #tpu.memory_space<vmem>>
      %dma_start3A_59 = tpu.memref_squeeze %dma_start3A_58 : memref<1x128xi32, #tpu.memory_space<vmem>> -> memref<128xi32, #tpu.memory_space<vmem>>
      %dma_start3A_60 = arith.constant 0 : i32
      %dma_start3A_61 = arith.constant 0 : i32
      %dma_start3A_62 = tpu.memref_slice %arg10[%dma_start3A_60, %dma_start3A_61] : memref<10240x128xf32, #tpu.memory_space<vmem_shared>> -> memref<10240x128xf32, #tpu.memory_space<vmem_shared>>
      tpu.enqueue_indirect_dma source(%dma_start3A_56 : memref<128x128xf32, #tpu.memory_space<vmem>>) target(%dma_start3A_62 : memref<10240x128xf32, #tpu.memory_space<vmem_shared>>) offsets(%dma_start3A_59 : memref<128xi32, #tpu.memory_space<vmem>>) semaphore(%arg12 : memref<!tpu.dma_semaphore, #tpu.memory_space<semaphore_mem>>) {add = true}
      %dma_wait3A_63 = arith.constant 0 : i32
      %dma_wait3A_64 = arith.constant 0 : i32
      %dma_wait3A_65 = tpu.memref_slice %arg8[%dma_wait3A_63, %dma_wait3A_64] : memref<128x128xf32, #tpu.memory_space<vmem>> -> memref<128x128xf32, #tpu.memory_space<vmem>>
      %dma_wait3A_66 = arith.constant 0 : i32
      %dma_wait3A_67 = tpu.memref_slice %arg7[%add3A_53, %dma_wait3A_66] : memref<80x128xi32, #tpu.memory_space<vmem>> -> memref<1x128xi32, #tpu.memory_space<vmem>>
      %dma_wait3A_68 = tpu.memref_squeeze %dma_wait3A_67 : memref<1x128xi32, #tpu.memory_space<vmem>> -> memref<128xi32, #tpu.memory_space<vmem>>
      %dma_wait3A_69 = arith.constant 0 : i32
      %dma_wait3A_70 = arith.constant 0 : i32
      %dma_wait3A_71 = tpu.memref_slice %arg10[%dma_wait3A_69, %dma_wait3A_70] : memref<10240x128xf32, #tpu.memory_space<vmem_shared>> -> memref<10240x128xf32, #tpu.memory_space<vmem_shared>>
      tpu.wait_indirect_dma semaphore(%arg12 : memref<!tpu.dma_semaphore, #tpu.memory_space<semaphore_mem>>) src(%dma_wait3A_65 : memref<128x128xf32, #tpu.memory_space<vmem>>) dst(%dma_wait3A_71 : memref<10240x128xf32, #tpu.memory_space<vmem_shared>>)
    }
    %scan3A_19 = arith.constant 80 : i32
    %barrier3A_20 = arith.constant 0 : index
    tpu.barrier barrier_id(%barrier3A_20)
    %mul3A_21 = arith.constant 632 : i32
    %mul3A_22 = arith.muli %arg1, %mul3A_21 : i32
    %mul3A_23 = arith.constant 10112 : i32
    %mul3A_24 = arith.muli %arg0, %mul3A_23 : i32
    %mul3A_25 = arith.constant 632 : i32
    %mul3A_26 = arith.muli %arg1, %mul3A_25 : i32
    %add3A = arith.addi %mul3A_24, %mul3A_26 : i32
    "tpu.region"() ({
      %run_scoped3A = tpu.sem_alloc : memref<!tpu.dma_semaphore, #tpu.memory_space<semaphore_mem>>
      %dma_start3A = arith.constant 0 : i32
      %dma_start3A_27 = tpu.memref_slice %arg5[%add3A, %dma_start3A] : memref<20224x128xf32, #tpu.memory_space<hbm>> -> memref<632x128xf32, #tpu.memory_space<hbm>>
      %dma_start3A_28 = arith.constant 0 : i32
      %dma_start3A_29 = tpu.memref_slice %arg10[%mul3A_22, %dma_start3A_28] : memref<10240x128xf32, #tpu.memory_space<vmem_shared>> -> memref<632x128xf32, #tpu.memory_space<vmem_shared>>
      tpu.enqueue_dma source(%dma_start3A_29 : memref<632x128xf32, #tpu.memory_space<vmem_shared>>) target(%dma_start3A_27 : memref<632x128xf32, #tpu.memory_space<hbm>>) target_semaphore(%run_scoped3A : memref<!tpu.dma_semaphore, #tpu.memory_space<semaphore_mem>>)
      %dma_wait3A = arith.constant 0 : i32
      %dma_wait3A_30 = tpu.memref_slice %arg5[%add3A, %dma_wait3A] : memref<20224x128xf32, #tpu.memory_space<hbm>> -> memref<632x128xf32, #tpu.memory_space<hbm>>
      %dma_wait3A_31 = arith.constant 0 : i32
      %dma_wait3A_32 = tpu.memref_slice %arg10[%mul3A_22, %dma_wait3A_31] : memref<10240x128xf32, #tpu.memory_space<vmem_shared>> -> memref<632x128xf32, #tpu.memory_space<vmem_shared>>
      tpu.wait_dma2 semaphore(%run_scoped3A : memref<!tpu.dma_semaphore, #tpu.memory_space<semaphore_mem>>) src(%dma_wait3A_32 : memref<632x128xf32, #tpu.memory_space<vmem_shared>>) dst(%dma_wait3A_30 : memref<632x128xf32, #tpu.memory_space<hbm>>)
      tpu.yield
    }) : () -> ()
    return
  }
}

module attributes {stable_mosaic.version = 14 : i64} {
  func.func @body(%arg0: i32, %arg1: memref<1000x128xf32, #tpu.memory_space<vmem>>, %arg2: memref<128x128xf32, #tpu.memory_space<vmem>>, %arg3: memref<1000x128xf32, #tpu.memory_space<vmem>>) attributes {dimension_semantics = [#tpu.dimension_semantics<arbitrary>], iteration_bounds = array<i64: 10>, scalar_prefetch = 0 : i64, scratch_operands = 0 : i64, tpu.core_type = #tpu.core_type<tc>, window_params = [{transform_indices = @transform_0, window_bounds = array<i64: 1000, 128>}, {pipeline_mode = #tpu.pipeline_mode<synchronous>, transform_indices = @transform_1, window_bounds = array<i64: 128, 128>}, {transform_indices = @transform_2, window_bounds = array<i64: 1000, 128>}]} {
    %get3A = arith.constant 0 : index
    %get3A_0 = arith.constant 0 : index
    %get3A_1 = vector.load %arg1[%get3A, %get3A_0] : memref<1000x128xf32, #tpu.memory_space<vmem>>, vector<1000x128xf32>
    %get3A_2 = arith.constant 0 : index
    %get3A_3 = arith.constant 0 : index
    %get3A_4 = vector.load %arg2[%get3A_2, %get3A_3] : memref<128x128xf32, #tpu.memory_space<vmem>>, vector<128x128xf32>
    %dot_general3A = arith.constant dense<0.000000e+00> : vector<1000x128xf32>
    %dot_general3A_5 = tpu.matmul %get3A_1, %get3A_4, %dot_general3A {dimension_numbers = #tpu.dot_dimension_numbers<[1], [0], [0], [1], [0, 0, 1, 1], [], []>, transpose_lhs_hint = false} : vector<1000x128xf32>, vector<128x128xf32>, vector<1000x128xf32> -> vector<1000x128xf32>
    %swap3A = arith.constant 0 : index
    %swap3A_6 = arith.constant 0 : index
    %swap3A_7 = vector.load %arg3[%swap3A, %swap3A_6] : memref<1000x128xf32, #tpu.memory_space<vmem>>, vector<1000x128xf32>
    tpu.vector_store %arg3[%swap3A, %swap3A_6], %dot_general3A_5 {strides = array<i32>} : memref<1000x128xf32, #tpu.memory_space<vmem>>, vector<1000x128xf32>,
    return
  }
  func.func @transform_0(%arg0: i32) -> (i32, i32) {
    %c0_i32 = arith.constant 0 : i32
    %c0_i32_0 = arith.constant 0 : i32
    return %arg0, %c0_i32 : i32, i32
  }
  func.func @transform_1(%arg0: i32) -> (i32, i32) {
    %c0_i32 = arith.constant 0 : i32
    %c0_i32_0 = arith.constant 0 : i32
    %c0_i32_1 = arith.constant 0 : i32
    return %c0_i32, %c0_i32_0 : i32, i32
  }
  func.func @transform_2(%arg0: i32) -> (i32, i32) {
    %c0_i32 = arith.constant 0 : i32
    %c0_i32_0 = arith.constant 0 : i32
    return %arg0, %c0_i32 : i32, i32
  }
}

module attributes {stable_mosaic.version = 14 : i64} {
  func.func @body(%arg0: i32, %arg1: memref<1000x16xf32, #tpu.memory_space<vmem>>, %arg2: memref<1000x16xf32, #tpu.memory_space<vmem>>, %arg3: memref<1000x128xf32, #tpu.memory_space<vmem>>, %arg4: memref<1000x128xf32, #tpu.memory_space<vmem>>, %arg5: memref<1000x16xf32, #tpu.memory_space<vmem>>) attributes {dimension_semantics = [#tpu.dimension_semantics<arbitrary>], iteration_bounds = array<i64: 10>, scalar_prefetch = 0 : i64, scratch_operands = 0 : i64, tpu.core_type = #tpu.core_type<tc>, window_params = [{transform_indices = @transform_0, window_bounds = array<i64: 1000, 16>}, {transform_indices = @transform_1, window_bounds = array<i64: 1000, 16>}, {transform_indices = @transform_2, window_bounds = array<i64: 1000, 128>}, {transform_indices = @transform_3, window_bounds = array<i64: 1000, 128>}, {transform_indices = @transform_4, window_bounds = array<i64: 1000, 16>}]} {
    %get3A = arith.constant 0 : index
    %get3A_0 = arith.constant 0 : index
    %get3A_1 = vector.load %arg1[%get3A, %get3A_0] : memref<1000x16xf32, #tpu.memory_space<vmem>>, vector<1000x16xf32>
    %get3A_2 = arith.constant 0 : index
    %get3A_3 = arith.constant 0 : index
    %get3A_4 = vector.load %arg2[%get3A_2, %get3A_3] : memref<1000x16xf32, #tpu.memory_space<vmem>>, vector<1000x16xf32>
    %add3A = arith.addf %get3A_1, %get3A_4 : vector<1000x16xf32>
    %add3A_5 = arith.constant 1.000000e+00 : f32
    %add3A_6 = vector.broadcast %add3A_5 : f32 to vector<1000x16xf32>
    %add3A_7 = arith.addf %add3A, %add3A_6 : vector<1000x16xf32>
    %rsqrt3A = math.rsqrt %add3A_7 : vector<1000x16xf32>
    %swap3A = arith.constant 0 : index
    %swap3A_8 = arith.constant 0 : index
    %swap3A_9 = vector.load %arg5[%swap3A, %swap3A_8] : memref<1000x16xf32, #tpu.memory_space<vmem>>, vector<1000x16xf32>
    tpu.vector_store %arg5[%swap3A, %swap3A_8], %rsqrt3A {strides = array<i32>} : memref<1000x16xf32, #tpu.memory_space<vmem>>, vector<1000x16xf32>,
    %get3A_10 = arith.constant 0 : index
    %get3A_11 = arith.constant 0 : index
    %get3A_12 = vector.load %arg3[%get3A_10, %get3A_11] : memref<1000x128xf32, #tpu.memory_space<vmem>>, vector<1000x128xf32>
    %slice3A = vector.extract_strided_slice %rsqrt3A {offsets = [0, 0], sizes = [1000, 1], strides = [1, 1]} : vector<1000x16xf32> to vector<1000x1xf32>
    %mul3A = vector.broadcast %slice3A : vector<1000x1xf32> to vector<1000x128xf32>
    %mul3A_13 = arith.mulf %get3A_12, %mul3A : vector<1000x128xf32>
    %swap3A_14 = arith.constant 0 : index
    %swap3A_15 = arith.constant 0 : index
    %swap3A_16 = vector.load %arg4[%swap3A_14, %swap3A_15] : memref<1000x128xf32, #tpu.memory_space<vmem>>, vector<1000x128xf32>
    tpu.vector_store %arg4[%swap3A_14, %swap3A_15], %mul3A_13 {strides = array<i32>} : memref<1000x128xf32, #tpu.memory_space<vmem>>, vector<1000x128xf32>,
    return
  }
  func.func @transform_0(%arg0: i32) -> (i32, i32) {
    %c0_i32 = arith.constant 0 : i32
    %c0_i32_0 = arith.constant 0 : i32
    return %arg0, %c0_i32 : i32, i32
  }
  func.func @transform_1(%arg0: i32) -> (i32, i32) {
    %c0_i32 = arith.constant 0 : i32
    %c0_i32_0 = arith.constant 0 : i32
    return %arg0, %c0_i32 : i32, i32
  }
  func.func @transform_2(%arg0: i32) -> (i32, i32) {
    %c0_i32 = arith.constant 0 : i32
    %c0_i32_0 = arith.constant 0 : i32
    return %arg0, %c0_i32 : i32, i32
  }
  func.func @transform_3(%arg0: i32) -> (i32, i32) {
    %c0_i32 = arith.constant 0 : i32
    %c0_i32_0 = arith.constant 0 : i32
    return %arg0, %c0_i32 : i32, i32
  }
  func.func @transform_4(%arg0: i32) -> (i32, i32) {
    %c0_i32 = arith.constant 0 : i32
    %c0_i32_0 = arith.constant 0 : i32
    return %arg0, %c0_i32 : i32, i32
  }
}

module attributes {stable_mosaic.version = 14 : i64} {
  func.func @body(%arg0: i32, %arg1: memref<1000x128xf32, #tpu.memory_space<vmem>>, %arg2: memref<1000x128xf32, #tpu.memory_space<vmem>>, %arg3: memref<1000x128xf32, #tpu.memory_space<vmem>>, %arg4: memref<1000x16xf32, #tpu.memory_space<vmem>>, %arg5: memref<128x128xf32, #tpu.memory_space<vmem>>, %arg6: memref<1x128xf32, #tpu.memory_space<vmem>>, %arg7: memref<1000x128xf32, #tpu.memory_space<vmem>>) attributes {dimension_semantics = [#tpu.dimension_semantics<arbitrary>], iteration_bounds = array<i64: 10>, scalar_prefetch = 0 : i64, scratch_operands = 0 : i64, tpu.core_type = #tpu.core_type<tc>, window_params = [{transform_indices = @transform_0, window_bounds = array<i64: 1000, 128>}, {transform_indices = @transform_1, window_bounds = array<i64: 1000, 128>}, {transform_indices = @transform_2, window_bounds = array<i64: 1000, 128>}, {transform_indices = @transform_3, window_bounds = array<i64: 1000, 16>}, {pipeline_mode = #tpu.pipeline_mode<synchronous>, transform_indices = @transform_4, window_bounds = array<i64: 128, 128>}, {pipeline_mode = #tpu.pipeline_mode<synchronous>, transform_indices = @transform_5, window_bounds = array<i64: 1, 128>}, {transform_indices = @transform_6, window_bounds = array<i64: 1000, 128>}]} {
    %get3A = arith.constant 0 : index
    %get3A_0 = arith.constant 0 : index
    %get3A_1 = vector.load %arg4[%get3A, %get3A_0] : memref<1000x16xf32, #tpu.memory_space<vmem>>, vector<1000x16xf32>
    %slice3A = vector.extract_strided_slice %get3A_1 {offsets = [0, 0], sizes = [1000, 1], strides = [1, 1]} : vector<1000x16xf32> to vector<1000x1xf32>
    %get3A_2 = arith.constant 0 : index
    %get3A_3 = arith.constant 0 : index
    %get3A_4 = vector.load %arg1[%get3A_2, %get3A_3] : memref<1000x128xf32, #tpu.memory_space<vmem>>, vector<1000x128xf32>
    %get3A_5 = arith.constant 0 : index
    %get3A_6 = arith.constant 0 : index
    %get3A_7 = vector.load %arg2[%get3A_5, %get3A_6] : memref<1000x128xf32, #tpu.memory_space<vmem>>, vector<1000x128xf32>
    %add3A = arith.addf %get3A_4, %get3A_7 : vector<1000x128xf32>
    %get3A_8 = arith.constant 0 : index
    %get3A_9 = arith.constant 0 : index
    %get3A_10 = vector.load %arg3[%get3A_8, %get3A_9] : memref<1000x128xf32, #tpu.memory_space<vmem>>, vector<1000x128xf32>
    %add3A_11 = arith.addf %add3A, %get3A_10 : vector<1000x128xf32>
    %mul3A = vector.broadcast %slice3A : vector<1000x1xf32> to vector<1000x128xf32>
    %mul3A_12 = arith.mulf %mul3A, %add3A_11 : vector<1000x128xf32>
    %get3A_13 = arith.constant 0 : index
    %get3A_14 = arith.constant 0 : index
    %get3A_15 = vector.load %arg6[%get3A_13, %get3A_14] : memref<1x128xf32, #tpu.memory_space<vmem>>, vector<1x128xf32>
    %add3A_16 = vector.broadcast %get3A_15 : vector<1x128xf32> to vector<1000x128xf32>
    %add3A_17 = arith.addf %mul3A_12, %add3A_16 : vector<1000x128xf32>
    %max3A = arith.constant 0.000000e+00 : f32
    %max3A_18 = vector.broadcast %max3A : f32 to vector<1000x128xf32>
    %max3A_19 = arith.maximumf %add3A_17, %max3A_18 : vector<1000x128xf32>
    %get3A_20 = arith.constant 0 : index
    %get3A_21 = arith.constant 0 : index
    %get3A_22 = vector.load %arg5[%get3A_20, %get3A_21] : memref<128x128xf32, #tpu.memory_space<vmem>>, vector<128x128xf32>
    %dot_general3A = arith.constant dense<0.000000e+00> : vector<1000x128xf32>
    %dot_general3A_23 = tpu.matmul %max3A_19, %get3A_22, %dot_general3A {dimension_numbers = #tpu.dot_dimension_numbers<[1], [0], [0], [1], [0, 0, 1, 1], [], []>, transpose_lhs_hint = false} : vector<1000x128xf32>, vector<128x128xf32>, vector<1000x128xf32> -> vector<1000x128xf32>
    %mul3A_24 = vector.broadcast %slice3A : vector<1000x1xf32> to vector<1000x128xf32>
    %mul3A_25 = arith.mulf %dot_general3A_23, %mul3A_24 : vector<1000x128xf32>
    %swap3A = arith.constant 0 : index
    %swap3A_26 = arith.constant 0 : index
    %swap3A_27 = vector.load %arg7[%swap3A, %swap3A_26] : memref<1000x128xf32, #tpu.memory_space<vmem>>, vector<1000x128xf32>
    tpu.vector_store %arg7[%swap3A, %swap3A_26], %mul3A_25 {strides = array<i32>} : memref<1000x128xf32, #tpu.memory_space<vmem>>, vector<1000x128xf32>,
    return
  }
  func.func @transform_0(%arg0: i32) -> (i32, i32) {
    %c0_i32 = arith.constant 0 : i32
    %c0_i32_0 = arith.constant 0 : i32
    return %arg0, %c0_i32 : i32, i32
  }
  func.func @transform_1(%arg0: i32) -> (i32, i32) {
    %c0_i32 = arith.constant 0 : i32
    %c0_i32_0 = arith.constant 0 : i32
    return %arg0, %c0_i32 : i32, i32
  }
  func.func @transform_2(%arg0: i32) -> (i32, i32) {
    %c0_i32 = arith.constant 0 : i32
    %c0_i32_0 = arith.constant 0 : i32
    return %arg0, %c0_i32 : i32, i32
  }
  func.func @transform_3(%arg0: i32) -> (i32, i32) {
    %c0_i32 = arith.constant 0 : i32
    %c0_i32_0 = arith.constant 0 : i32
    return %arg0, %c0_i32 : i32, i32
  }
  func.func @transform_4(%arg0: i32) -> (i32, i32) {
    %c0_i32 = arith.constant 0 : i32
    %c0_i32_0 = arith.constant 0 : i32
    %c0_i32_1 = arith.constant 0 : i32
    return %c0_i32, %c0_i32_0 : i32, i32
  }
  func.func @transform_5(%arg0: i32) -> (i32, i32) {
    %c0_i32 = arith.constant 0 : i32
    %c0_i32_0 = arith.constant 0 : i32
    %c0_i32_1 = arith.constant 0 : i32
    return %c0_i32, %c0_i32_0 : i32, i32
  }
  func.func @transform_6(%arg0: i32) -> (i32, i32) {
    %c0_i32 = arith.constant 0 : i32
    %c0_i32_0 = arith.constant 0 : i32
    return %arg0, %c0_i32 : i32, i32
  }
}

module attributes {stable_mosaic.version = 14 : i64} {
  func.func @body(%arg0: i32, %arg1: memref<1000x128xf32, #tpu.memory_space<vmem>>, %arg2: memref<1000x128xf32, #tpu.memory_space<vmem>>, %arg3: memref<1000x128xf32, #tpu.memory_space<vmem>>, %arg4: memref<1000x16xf32, #tpu.memory_space<vmem>>, %arg5: memref<1x128xf32, #tpu.memory_space<vmem>>, %arg6: memref<128x64xf32, #tpu.memory_space<vmem>>, %arg7: memref<1x64xf32, #tpu.memory_space<vmem>>, %arg8: memref<1000x64xf32, #tpu.memory_space<vmem>>) attributes {dimension_semantics = [#tpu.dimension_semantics<arbitrary>], iteration_bounds = array<i64: 10>, scalar_prefetch = 0 : i64, scratch_operands = 0 : i64, tpu.core_type = #tpu.core_type<tc>, window_params = [{transform_indices = @transform_0, window_bounds = array<i64: 1000, 128>}, {transform_indices = @transform_1, window_bounds = array<i64: 1000, 128>}, {transform_indices = @transform_2, window_bounds = array<i64: 1000, 128>}, {transform_indices = @transform_3, window_bounds = array<i64: 1000, 16>}, {pipeline_mode = #tpu.pipeline_mode<synchronous>, transform_indices = @transform_4, window_bounds = array<i64: 1, 128>}, {pipeline_mode = #tpu.pipeline_mode<synchronous>, transform_indices = @transform_5, window_bounds = array<i64: 128, 64>}, {pipeline_mode = #tpu.pipeline_mode<synchronous>, transform_indices = @transform_6, window_bounds = array<i64: 1, 64>}, {transform_indices = @transform_7, window_bounds = array<i64: 1000, 64>}]} {
    %get3A = arith.constant 0 : index
    %get3A_0 = arith.constant 0 : index
    %get3A_1 = vector.load %arg4[%get3A, %get3A_0] : memref<1000x16xf32, #tpu.memory_space<vmem>>, vector<1000x16xf32>
    %slice3A = vector.extract_strided_slice %get3A_1 {offsets = [0, 0], sizes = [1000, 1], strides = [1, 1]} : vector<1000x16xf32> to vector<1000x1xf32>
    %get3A_2 = arith.constant 0 : index
    %get3A_3 = arith.constant 0 : index
    %get3A_4 = vector.load %arg1[%get3A_2, %get3A_3] : memref<1000x128xf32, #tpu.memory_space<vmem>>, vector<1000x128xf32>
    %get3A_5 = arith.constant 0 : index
    %get3A_6 = arith.constant 0 : index
    %get3A_7 = vector.load %arg2[%get3A_5, %get3A_6] : memref<1000x128xf32, #tpu.memory_space<vmem>>, vector<1000x128xf32>
    %add3A = arith.addf %get3A_4, %get3A_7 : vector<1000x128xf32>
    %get3A_8 = arith.constant 0 : index
    %get3A_9 = arith.constant 0 : index
    %get3A_10 = vector.load %arg3[%get3A_8, %get3A_9] : memref<1000x128xf32, #tpu.memory_space<vmem>>, vector<1000x128xf32>
    %add3A_11 = arith.addf %add3A, %get3A_10 : vector<1000x128xf32>
    %mul3A = vector.broadcast %slice3A : vector<1000x1xf32> to vector<1000x128xf32>
    %mul3A_12 = arith.mulf %mul3A, %add3A_11 : vector<1000x128xf32>
    %get3A_13 = arith.constant 0 : index
    %get3A_14 = arith.constant 0 : index
    %get3A_15 = vector.load %arg5[%get3A_13, %get3A_14] : memref<1x128xf32, #tpu.memory_space<vmem>>, vector<1x128xf32>
    %add3A_16 = vector.broadcast %get3A_15 : vector<1x128xf32> to vector<1000x128xf32>
    %add3A_17 = arith.addf %mul3A_12, %add3A_16 : vector<1000x128xf32>
    %max3A = arith.constant 0.000000e+00 : f32
    %max3A_18 = vector.broadcast %max3A : f32 to vector<1000x128xf32>
    %max3A_19 = arith.maximumf %add3A_17, %max3A_18 : vector<1000x128xf32>
    %get3A_20 = arith.constant 0 : index
    %get3A_21 = arith.constant 0 : index
    %get3A_22 = vector.load %arg6[%get3A_20, %get3A_21] : memref<128x64xf32, #tpu.memory_space<vmem>>, vector<128x64xf32>
    %dot_general3A = arith.constant dense<0.000000e+00> : vector<1000x64xf32>
    %dot_general3A_23 = tpu.matmul %max3A_19, %get3A_22, %dot_general3A {dimension_numbers = #tpu.dot_dimension_numbers<[1], [0], [0], [1], [0, 0, 1, 1], [], []>, transpose_lhs_hint = false} : vector<1000x128xf32>, vector<128x64xf32>, vector<1000x64xf32> -> vector<1000x64xf32>
    %get3A_24 = arith.constant 0 : index
    %get3A_25 = arith.constant 0 : index
    %get3A_26 = vector.load %arg7[%get3A_24, %get3A_25] : memref<1x64xf32, #tpu.memory_space<vmem>>, vector<1x64xf32>
    %add3A_27 = vector.broadcast %get3A_26 : vector<1x64xf32> to vector<1000x64xf32>
    %add3A_28 = arith.addf %dot_general3A_23, %add3A_27 : vector<1000x64xf32>
    %reduce_max3A = arith.constant dense<0xFF800000> : vector<1000xf32>
    %reduce_max3A_29 = vector.multi_reduction <maximumf>, %add3A_28, %reduce_max3A [1] : vector<1000x64xf32> to vector<1000xf32>
    %broadcast_in_dim3A = vector.shape_cast %reduce_max3A_29 : vector<1000xf32> to vector<1000x1xf32>
    %sub3A = vector.broadcast %broadcast_in_dim3A : vector<1000x1xf32> to vector<1000x64xf32>
    %sub3A_30 = arith.subf %add3A_28, %sub3A : vector<1000x64xf32>
    %exp3A = math.exp %sub3A_30 : vector<1000x64xf32>
    %reduce_sum3A = arith.constant dense<0.000000e+00> : vector<1000xf32>
    %reduce_sum3A_31 = vector.multi_reduction <add>, %exp3A, %reduce_sum3A [1] : vector<1000x64xf32> to vector<1000xf32>
    %broadcast_in_dim3A_32 = vector.shape_cast %reduce_sum3A_31 : vector<1000xf32> to vector<1000x1xf32>
    %log3A = math.log %broadcast_in_dim3A_32 : vector<1000x1xf32>
    %add3A_33 = arith.addf %log3A, %broadcast_in_dim3A : vector<1000x1xf32>
    %sub3A_34 = vector.broadcast %add3A_33 : vector<1000x1xf32> to vector<1000x64xf32>
    %sub3A_35 = arith.subf %add3A_28, %sub3A_34 : vector<1000x64xf32>
    %swap3A = arith.constant 0 : index
    %swap3A_36 = arith.constant 0 : index
    %swap3A_37 = vector.load %arg8[%swap3A, %swap3A_36] : memref<1000x64xf32, #tpu.memory_space<vmem>>, vector<1000x64xf32>
    tpu.vector_store %arg8[%swap3A, %swap3A_36], %sub3A_35 {strides = array<i32>} : memref<1000x64xf32, #tpu.memory_space<vmem>>, vector<1000x64xf32>,
    return
  }
  func.func @transform_0(%arg0: i32) -> (i32, i32) {
    %c0_i32 = arith.constant 0 : i32
    %c0_i32_0 = arith.constant 0 : i32
    return %arg0, %c0_i32 : i32, i32
  }
  func.func @transform_1(%arg0: i32) -> (i32, i32) {
    %c0_i32 = arith.constant 0 : i32
    %c0_i32_0 = arith.constant 0 : i32
    return %arg0, %c0_i32 : i32, i32
  }
  func.func @transform_2(%arg0: i32) -> (i32, i32) {
    %c0_i32 = arith.constant 0 : i32
    %c0_i32_0 = arith.constant 0 : i32
    return %arg0, %c0_i32 : i32, i32
  }
  func.func @transform_3(%arg0: i32) -> (i32, i32) {
    %c0_i32 = arith.constant 0 : i32
    %c0_i32_0 = arith.constant 0 : i32
    return %arg0, %c0_i32 : i32, i32
  }
  func.func @transform_4(%arg0: i32) -> (i32, i32) {
    %c0_i32 = arith.constant 0 : i32
    %c0_i32_0 = arith.constant 0 : i32
    %c0_i32_1 = arith.constant 0 : i32
    return %c0_i32, %c0_i32_0 : i32, i32
  }
  func.func @transform_5(%arg0: i32) -> (i32, i32) {
    %c0_i32 = arith.constant 0 : i32
    %c0_i32_0 = arith.constant 0 : i32
    %c0_i32_1 = arith.constant 0 : i32
    return %c0_i32, %c0_i32_0 : i32, i32
  }
  func.func @transform_6(%arg0: i32) -> (i32, i32) {
    %c0_i32 = arith.constant 0 : i32
    %c0_i32_0 = arith.constant 0 : i32
    %c0_i32_1 = arith.constant 0 : i32
    return %c0_i32, %c0_i32_0 : i32, i32
  }
  func.func @transform_7(%arg0: i32) -> (i32, i32) {
    %c0_i32 = arith.constant 0 : i32
    %c0_i32_0 = arith.constant 0 : i32
    return %arg0, %c0_i32 : i32, i32
  }
}

</mosaic_0001>

<sc_bundles>
// kernel: kernel.12.cloned.1.call-start
scs
__scs_entry_jumppad:
0x0: {  	(pc) =	sbr.rel $0x88, $3  }
0x1: {  	(tag) =	ssettag $0x0;
	lr =	simm.s32 $0x1  }
0x2: {  	[smem:$0x3F99] =	sst lr;
	_ =	strace $0xD0000000  }
0x3: {  	_ = 	snop  }
0x4: {  	_ = 	snop  }
0x5: {  	_ = 	snop  }
0x6: {  	_ = 	snop  }
0x7: {  	_ = 	snop  }
__scs_overlays_trampoline_lowered:
0x8: {  	[smem:$0x3FA8] =	sst s0  }
0x9: {  	[smem:$0x3FA9] =	sst s1  }
0xa: {  	[smem:$0x3FAA] =	sst s2  }
0xb: {  	[smem:$0x3FAB] =	sst s3  }
0xc: {  	[smem:$0x3FAC] =	sst s4  }
0xd: {  	[smem:$0x3FAD] =	sst s5  }
0xe: {  	[smem:$0x3FAE] =	sst s6  }
0xf: {  	[smem:$0x3FAF] =	sst s7  }
0x10: {  	[smem:$0x3FB0] =	sst s8  }
0x11: {  	[smem:$0x3FB1] =	sst s9;
	s0 =	simm.s32 @!p0 $0x0  }
0x12: {  	s1 =	sld [smem:$0x3F97];
	s0 =	simm.s32 @p0 $0x1  }
0x13: {  	[smem:$0x3FB2] =	sst s0;
	s0 =	simm.s32 @!p1 $0x0  }
0x14: {  	s2 =	sld [smem:$0x3F96];
	s0 =	simm.s32 @p1 $0x1  }
0x15: {  	[smem:$0x3FB3] =	sst s0;
	s0 =	simm.s32 @!p2 $0x0  }
0x16: {  	s3 =	sld [smem:$0x3FDB];
	s0 =	simm.s32 @p2 $0x1  }
0x17: {  	s4 =	simm.s32 $0x1BF5;
	[smem:$0x3FB5] =	sst s0  }
0x18: {  	s0 =	sld [smem:$0x3F98];
	_ =	swait.ge [sflag:s4], $0x0  }
0x19: {  	s7 =	sld [smem:$0x3F99]  }
0x1a: {  	s8 =	sadd.s32 $0xFFFFE003, lr  }
0x1b: {  	s9 =	sadd.s32 $0xFFFFFEF7, lr;
	s5 =	simm.s32 $0xFFFFFFFF;
	p2 =	slt.u32 s8, $0xFFFFF086  }
0x1c: {  	p1 =	slt.u32 s9, $0xF7A;
	s5 =	simm.s32 @!p2 $0x0  }
0x1d: {  	s5 =	simm.s32 @p1 $0x1;
	p0 =	seq.s32 s7, s2  }
0x1e: {  	s7 =	smul.u32 @!p0 $0xF7A, s2;
	p2 =	seq.s32 @!p0 s5, $0x0  }
0x1f: {  	s9 =	smul.u32 $0xF7A, s1;
	s8 =	simm.s32 @!p0 $0x1BF5;
	p2 =	por !p2, p0  }
0x20: {  	[sflag:s8] =	ssyncset.s32 @!p0 $0xFFFFF086;
	s6 =	sadd.s32 @!p0 s3, s7;
	s7 =	simm.s32 @!p0 $0x108  }
0x21: {  	s3 =	sadd.s32 s3, s9;
	s6 =	sadd.s32 @!p0 $0x88, s6;
	s7 =	simm.s32 @p2 $0x1082  }
0x22: {  	[simem:s7], [sflag:s8] =	dma.local @!p0 [hbm:s6], $0xF7A  }
0x23: {  	s9 =	sor.u32 $0xD0000000, s2;
	s6 =	simm.s32 $0x108;
	_ =	swait.ge @!p0 [sflag:s8], $0x0  }
0x24: {  	s3 =	sadd.s32 $0x88, s3;
	s6 =	simm.s32 @!p1 $0x1082;
	[sflag:s4] =	ssyncset.s32 $0xFFFFF086  }
0x25: {  	[simem:s6], [sflag:s4] =	dma.local [hbm:s3], $0xF7A  }
0x26: {  	[smem:$0x3F99] =	sst s1;
	(tag) =	ssettag s2;
	_ =	strace s9  }
0x27: {  	s1 =	sld [smem:$0x3FA9]  }
0x28: {  	s2 =	sld [smem:$0x3FAA]  }
0x29: {  	s4 =	sld [smem:$0x3FAC]  }
0x2a: {  	p0 =	seq.s32 s5, $0x0;
	s5 =	sld [smem:$0x3FAD]  }
0x2b: {  	s6 =	sld [smem:$0x3FAE]  }
0x2c: {  	s7 =	sld [smem:$0x3FAF]  }
0x2d: {  	s3 =	simm.s32 $0x108;
	s8 =	sld [smem:$0x3FB0]  }
0x2e: {  	s3 =	simm.s32 @!p0 $0x1082;
	s9 =	sld [smem:$0x3FB1]  }
0x2f: {  	lr =	sadd.s32 s0, s3;
	s0 =	sld [smem:$0x3FA8]  }
0x30: {  	s3 =	sld [smem:$0x3FAB]  }
0x31: {  	[smem:$0x3FB4] =	sst s10  }
0x32: {  	s10 =	sld [smem:$0x3FB2];
	_ =	sdelay $0x3  }
0x33: {  	p0 =	seq.s32 s10, $0x1;
	s10 =	sld [smem:$0x3FB4];
	_ =	sdelay $0x3  }
0x34: {  	[smem:$0x3FB4] =	sst s10  }
0x35: {  	s10 =	sld [smem:$0x3FB3];
	_ =	sdelay $0x3  }
0x36: {  	p1 =	seq.s32 s10, $0x1;
	s10 =	sld [smem:$0x3FB4];
	_ =	sdelay $0x3  }
0x37: {  	[smem:$0x3FB4] =	sst s10  }
0x38: {  	s10 =	sld [smem:$0x3FB5]  }
0x39: {  	_ = 	snop;
	(pc) =	sbr.ind lr, $3  }
0x3a: {  	_ = 	snop  }
0x3b: {  	_ = 	snop  }
0x3c: {  	p2 =	seq.s32 s10, $0x1;
	s10 =	sld [smem:$0x3FB4]  }
0x3d: {  	_ =	shalt  }
0x3e: {  	_ =	shalt  }
0x3f: {  	_ =	shalt  }
0x40: {  	_ =	shalt  }
0x41: {  	_ =	shalt  }
0x42: {  	_ =	shalt  }
0x43: {  	_ =	shalt  }
0x44: {  	_ =	shalt  }
0x45: {  	_ =	shalt  }
0x46: {  	_ =	shalt  }
0x47: {  	_ =	shalt  }
0x48: {  	_ =	shalt  }
0x49: {  	_ =	shalt  }
0x4a: {  	_ =	shalt  }
0x4b: {  	_ =	shalt  }
0x4c: {  	_ =	shalt  }
0x4d: {  	_ =	shalt  }
0x4e: {  	_ =	shalt  }
0x4f: {  	_ =	shalt  }
0x50: {  	_ =	shalt  }
0x51: {  	_ =	shalt  }
0x52: {  	_ =	shalt  }
0x53: {  	_ =	shalt  }
0x54: {  	_ =	shalt  }
0x55: {  	_ =	shalt  }
0x56: {  	_ =	shalt  }
0x57: {  	_ =	shalt  }
0x58: {  	_ =	shalt  }
0x59: {  	_ =	shalt  }
0x5a: {  	_ =	shalt  }
0x5b: {  	_ =	shalt  }
0x5c: {  	_ =	shalt  }
0x5d: {  	_ =	shalt  }
0x5e: {  	_ =	shalt  }
0x5f: {  	_ =	shalt  }
0x60: {  	_ =	shalt  }
0x61: {  	_ =	shalt  }
0x62: {  	_ =	shalt  }
0x63: {  	_ =	shalt  }
0x64: {  	_ =	shalt  }
0x65: {  	_ =	shalt  }
0x66: {  	_ =	shalt  }
0x67: {  	_ =	shalt  }
0x68: {  	_ =	shalt  }
0x69: {  	_ =	shalt  }
0x6a: {  	_ =	shalt  }
0x6b: {  	_ =	shalt  }
0x6c: {  	_ =	shalt  }
0x6d: {  	_ =	shalt  }
0x6e: {  	_ =	shalt  }
0x6f: {  	_ =	shalt  }
0x70: {  	_ =	shalt  }
0x71: {  	_ =	shalt  }
0x72: {  	_ =	shalt  }
0x73: {  	_ =	shalt  }
0x74: {  	_ =	shalt  }
0x75: {  	_ =	shalt  }
0x76: {  	_ =	shalt  }
0x77: {  	_ =	shalt  }
0x78: {  	_ =	shalt  }
0x79: {  	_ =	shalt  }
0x7a: {  	_ =	shalt  }
0x7b: {  	_ =	shalt  }
0x7c: {  	_ =	shalt  }
0x7d: {  	_ =	shalt  }
0x7e: {  	_ =	shalt  }
0x7f: {  	_ =	shalt  }
0x80: {  	_ =	shalt  }
0x81: {  	_ =	shalt  }
0x82: {  	_ =	shalt  }
0x83: {  	_ =	shalt  }
0x84: {  	_ =	shalt  }
0x85: {  	_ =	shalt  }
0x86: {  	_ =	shalt  }
0x87: {  	_ =	shalt  }
.Lfunc_end0:
.L_simem_size_0:
called_computation.1_lowered:
.L_overlay_start_0:
0x88: {  	s2 =	sld [smem:$0x3FD9]  }
0x89: {  	s3 =	sld [smem:$0x3FFE];
	_ =	sdelay $0x1  }
0x8a: {  	s1 =	srdreg.scid  }
0x8b: {  	s0 =	sand.u32 $0x1, s1  }
0x8c: {  	s17 =	sshll.u32 s0, $0xA;
	s2 =	sadd.s32 s3, s2  }
0x8d: {  	s2 =	sadd.s32 s2, s17  }
0x8e: {  	[smem:$0x3FC0] =	sst s2  }
0x8f: {  	_ = 	snop  }
0x90: {  	s2 =	sld [smem:$0x3FD0];
	(tm) =	ssettm $0x1  }
0x91: {  	s18 =	sld [smem:$0x3FFB];
	_ =	sdelay $0x3  }
0x92: {  	_ =	strace s18  }
0x93: {  	s3 =	sld [smem:$0x3FFC];
	_ =	sdelay $0x3  }
0x94: {  	_ =	strace s3  }
0x95: {  	s3 =	sld [smem:$0x3FFD];
	_ =	sdelay $0x3  }
0x96: {  	_ =	strace s3  }
0x97: {  	_ =	strace $0x8FFFFFFF  }
0x98: {  	s19 =	sld [smem:$0x3FDB];
	_ =	sdelay $0x1  }
0x99: {  	s4 =	simm.s32 $_scs_section_size  }
0x9a: {  	s5 =	simm.s32 $_size__tile_overlayer_lowered;
	s6 =	simm.s32 $_tile_overlayer_lowered  }
0x9b: {  	s22 =	simm.s32 $0x1BFF;
	s21 =	sshll.u32 s6, $0x1;
	s3 =	sadd.s32 s4, s19  }
0x9c: {  	s7 =	simm.s32 $0x0;
	s20 =	sshll.u32 s5, $0x1;
	s5 =	sadd.s32 s21, s3  }
0x9d: {  	[timem:s7], [sflag:s22] =	dma.local [hbm:s5], s20  }
0x9e: {  	_ =	swait.ge [sflag:s22], s20  }
0x9f: {  	s4 =	ssub.s32 $0x0, s20;
	[sflag:s22] =	ssyncset.done $0x0  }
0xa0: {  	[sflag:s22] =	ssyncadd.s32 s4;
	_ =	sdelay $0x1  }
0xa1: {  	s23 =	simm.s32 $0x1B8B  }
0xa2: {  	_ =	swait.ge [sflag:s23], $0x1  }
0xa3: {  	[sflag:s23] =	ssyncset.done $0x0  }
0xa4: {  	s25 =	simm.s32 $0x1B8E;
	s24 =	sld [smem:$0x3FFE];
	[sflag:s23] =	ssyncadd.s32 $0xFFFFFFFF  }
0xa5: {  	s26 =	simm.s32 $execute0_lowered;
	[smem:$0x3FD2] =	sst s25  }
0xa6: {  	s5 =	sshll.u32 s26, $0x1;
	_ =	strace $0x80000049;
	[dreg:$0x1] =	wrdreg $0xFFFFFFFF  }
0xa7: {  	s28 =	simm.s32 $_size_execute0_lowered;
	s3 =	sadd.s32 s3, s5;
	[dreg:$0x0] =	wrdreg $0x0  }
0xa8: {  	s5 =	sshll.u32 s28, $0x1;
	[dreg:$0x2] =	wrdreg s3  }
0xa9: {  	[dreg:$0x3] =	wrdreg s5  }
0xaa: {  	[dreg:$0x4] =	wrdreg $0xC0  }
0xab: {  	_ =	task [dreg:s7], $0x5FFFF  }
0xac: {  	[dreg:$0x1] =	wrdreg $0xFFFFFFFF  }
0xad: {  	[dreg:$0x0] =	wrdreg $0x60  }
0xae: {  	[dreg:$0x2] =	wrdreg s2  }
0xaf: {  	[dreg:$0x3] =	wrdreg s24  }
0xb0: {  	[dreg:$0x4] =	wrdreg $0xB0000  }
0xb1: {  	[dreg:$0x5] =	wrdreg $0x9  }
0xb2: {  	_ =	task.clear_ibuf [dreg:s7], $0x6FFFF;
	_ =	strace $0x90000049  }
0xb3: {  	s29 =	simm.s32 $0x9;
	_ =	strace $0x8000004B  }
0xb4: {  	_ =	swait.ge [sflag:s29], $0x1  }
0xb5: {  	[sflag:s29] =	ssyncadd.s32 $0xFFFFFFFF  }
0xb6: {  	_ =	strace $0x9000004B  }
0xb7: {  	_ =	sfence  }
0xb8: {  	s30 =	sld [smem:$0x0];
	_ =	sdelay $0x2  }
0xb9: {  	s31 =	sshll.u32 s1, $0xD;
	s1 =	sshrl.u32 s1, $0x2  }
0xba: {  	s3 =	sand.u32 $0x4000, s31;
	s1 =	sadd.s32 s1, s30  }
0xbb: {  	s0 =	sor.u32 s3, s0;
	s1 =	sshll.u32 s1, $0x11  }
0xbc: {  	s0 =	sor.u32 s1, s0  }
0xbd: {  	s0 =	sadd.s32 $0x8F2B, s0  }
0xbe: {  	[sflag:s0] =	ssyncadd.remote.s32 $0x1  }
0xbf: {  	_ =	sfence.sel $0xFFFF  }
0xc0: {  	[dreg:$0x0] =	wrdreg $0xFFFFFFFF;
	(pc) =	sbr.abs _section_cstart, $3  }
0xc1: {  	[dreg:$0x1] =	wrdreg $0xFFFFFFFF  }
0xc2: {  	_ =	task.clear_ibuf [dreg:s7], $0x2FFFF;
	_ =	strace $0x9FFFFFFF  }
0xc3: {  	(tm) =	ssettm $0x7FFFFFFF  }
tec
execute0_lowered:
.L_overlay_start_1:
0x0: {  	(tag) =	ssettag $0x1  }
0x1: {  	s6 =	rddreg [dreg:$0x0]  }
0x2: {  	s5 =	rddreg [dreg:$0x1]  }
0x3: {  	s0 =	srdreg.scid;
	s2 =	rddreg [dreg:$0x2];
	s3 =	simm.s32 $0x0  }
0x4: {  	s19 =	simm.s32 $0x9000;
	s20 =	simm.s32 $0x3;
	s7 =	sand.u32 $0x1, s0  }
0x5: {  	s21 =	simm.s32 $0x2800;
	s0 =	stileid.u32;
	s4 =	smul.u32 $0x28000, s7  }
0x6: {  	s22 =	simm.s32 $0x80;
	s23 =	simm.s32 $0x5000;
	s8 =	smul.u32 $0x2800, s0  }
0x7: {  	s24 =	simm.s32 $0x1;
	s26 =	simm.s32 $0x2;
	s29 =	smul.u32 $0x27800, s7  }
0x8: {  	s28 =	simm.s32 $0x0;
	[smem:$0x7FF] =	sst s3;
	s10 =	smul.u32 $0x2780, s0  }
0x9: {  	_ =	strace $0x8000004A;
	s12 =	smul.u32 $0x50000, s0;
	s7 =	ssub.s32 $0x2, s7  }
0xa: {  	s13 =	smul.u32 $0x4F000, s0;
	s30 =	sshrl.u32 s7, $0x1;
	s4 =	sadd.s32 s8, s4  }
0xb: {  	s8 =	sadd.s32 s10, s29;
	s12 =	sshrl.u32 s12, $0x2;
	s10 =	ssub.s32 s7, s30  }
0xc: {  	s31 =	sshrl.u32 s13, $0x2;
	s9 =	sshrl.u32 s4, $0x3;
	s4 =	sadd.s32 $0xD800, s5  }
0xd: {  	s8 =	sadd.s32 s8, s5;
	s25 =	sadd.s32 s31, s2;
	s11 =	sadd.s32 s9, s5  }
0xe: {  	s5 =	sadd.s32 s12, s2;
	s6 =	sadd.s32 s6, s9;
	s8 =	sadd.s32 $0x5BC00, s8  }
0xf: {  	s9 =	smax.u32 s10, $0x1;
	s25 =	sshrl.u32 s25, $0x3;
	s7 =	sadd.s32 $0x3800, s11  }
0x10: {  	s10 =	sadd.s32 $0x2000, s5;
	s11 =	sadd.s32 $0x4000, s5;
	s12 =	sadd.s32 $0x6000, s5  }
0x11: {  	s13 =	sadd.s32 $0x8000, s5;
	s14 =	sadd.s32 $0xA000, s5;
	s15 =	sadd.s32 $0xC000, s5  }
0x12: {  	v0 =	vimm.f32 $0.0e+00;
	s16 =	sadd.s32 $0xE000, s5;
	s17 =	sadd.s32 $0x10000, s5;
	s18 =	sadd.s32 $0x12000, s5  }
.LBB2_1:
0x13: {  	s29 =	sand.u32 $0x7E00, s3  }
0x14: {  	s30 =	sand.u32 $0x70, s3;
	s31 =	sshrl.u32 s29, $0x2  }
0x15: {  	s29 =	simm.s32 $0x40;
	s31 =	sor.u32 s30, s31;
	s30 =	simm.s32 $0x0  }
.LBB2_2:
0x16: {  	p0 =	sne.s32 s29, $0x7FC0  }
0x17: {  	[tilespmem:s31+$0x9000] =	vst v0;
	s30 =	sadd.s32 $0x10, s30;
	s31 =	smov.u32 s29;
	s29 =	sadd.s32 $0x40, s29  }
.Ltmp0:
0x18: {  	(pc) =	sbr.rel @p0 .LBB2_2-.Ltmp0, $4  }
0x19: {  	_ = 	snop  }
0x1a: {  	s31 =	sand.u32 $0x7E00, s31  }
0x1b: {  	s1 =	sand.u32 $0x70, s30;
	s31 =	sshrl.u32 s31, $0x2  }
0x1c: {  	s31 =	sor.u32 s1, s31  }
0x1d: {  	[tilespmem:s31+$0x9000] =	vst v0  }
0x1e: {  	[spmem:s5] =	stream.linear.scatter [tilespmem:s19], [sflag:$0x3], $0x2000, $0x38;
	[tilespmem:$0x1F000] =	vst v63  }
0x1f: {  	_ =	swait.ge [sflag:s20], $0x2000  }
0x20: {  	[sflag:s20] =	ssyncset.done $0x0  }
0x21: {  	[sflag:s20] =	ssyncadd.s32 $0xFFFFE000  }
0x22: {  	[spmem:s10] =	stream.linear.scatter [tilespmem:s19], [sflag:$0x3], $0x2000, $0x38;
	[tilespmem:$0x1F000] =	vst v63  }
0x23: {  	_ =	swait.ge [sflag:s20], $0x2000  }
0x24: {  	[sflag:s20] =	ssyncset.done $0x0  }
0x25: {  	[sflag:s20] =	ssyncadd.s32 $0xFFFFE000  }
0x26: {  	[spmem:s11] =	stream.linear.scatter [tilespmem:s19], [sflag:$0x3], $0x2000, $0x38;
	[tilespmem:$0x1F000] =	vst v63  }
0x27: {  	_ =	swait.ge [sflag:s20], $0x2000  }
0x28: {  	[sflag:s20] =	ssyncset.done $0x0  }
0x29: {  	[sflag:s20] =	ssyncadd.s32 $0xFFFFE000  }
0x2a: {  	[spmem:s12] =	stream.linear.scatter [tilespmem:s19], [sflag:$0x3], $0x2000, $0x38;
	[tilespmem:$0x1F000] =	vst v63  }
0x2b: {  	_ =	swait.ge [sflag:s20], $0x2000  }
0x2c: {  	[sflag:s20] =	ssyncset.done $0x0  }
0x2d: {  	[sflag:s20] =	ssyncadd.s32 $0xFFFFE000  }
0x2e: {  	[spmem:s13] =	stream.linear.scatter [tilespmem:s19], [sflag:$0x3], $0x2000, $0x38;
	[tilespmem:$0x1F000] =	vst v63  }
0x2f: {  	_ =	swait.ge [sflag:s20], $0x2000  }
0x30: {  	[sflag:s20] =	ssyncset.done $0x0  }
0x31: {  	[sflag:s20] =	ssyncadd.s32 $0xFFFFE000  }
0x32: {  	[spmem:s14] =	stream.linear.scatter [tilespmem:s19], [sflag:$0x3], $0x2000, $0x38;
	[tilespmem:$0x1F000] =	vst v63  }
0x33: {  	_ =	swait.ge [sflag:s20], $0x2000  }
0x34: {  	[sflag:s20] =	ssyncset.done $0x0  }
0x35: {  	[sflag:s20] =	ssyncadd.s32 $0xFFFFE000  }
0x36: {  	[spmem:s15] =	stream.linear.scatter [tilespmem:s19], [sflag:$0x3], $0x2000, $0x38;
	[tilespmem:$0x1F000] =	vst v63  }
0x37: {  	_ =	swait.ge [sflag:s20], $0x2000  }
0x38: {  	[sflag:s20] =	ssyncset.done $0x0  }
0x39: {  	[sflag:s20] =	ssyncadd.s32 $0xFFFFE000  }
0x3a: {  	[spmem:s16] =	stream.linear.scatter [tilespmem:s19], [sflag:$0x3], $0x2000, $0x38;
	[tilespmem:$0x1F000] =	vst v63  }
0x3b: {  	_ =	swait.ge [sflag:s20], $0x2000  }
0x3c: {  	[sflag:s20] =	ssyncset.done $0x0  }
0x3d: {  	[sflag:s20] =	ssyncadd.s32 $0xFFFFE000  }
0x3e: {  	[spmem:s17] =	stream.linear.scatter [tilespmem:s19], [sflag:$0x3], $0x2000, $0x38;
	[tilespmem:$0x1F000] =	vst v63  }
0x3f: {  	_ =	swait.ge [sflag:s20], $0x2000  }
0x40: {  	[sflag:s20] =	ssyncset.done $0x0  }
0x41: {  	[sflag:s20] =	ssyncadd.s32 $0xFFFFE000  }
0x42: {  	[spmem:s18] =	stream.linear.scatter [tilespmem:s19], [sflag:$0x3], $0x2000, $0x38;
	[tilespmem:$0x1F000] =	vst v63  }
0x43: {  	_ =	swait.ge [sflag:s20], $0x2000  }
0x44: {  	[sflag:s20] =	ssyncset.done $0x0  }
0x45: {  	s1 =	simm.s32 $0x0;
	[sflag:s20] =	ssyncadd.s32 $0xFFFFE000  }
0x46: {  	[tilespmem:s1], [sflag:$0x3] =	stream.linear.gather [hbm4b:s6+s1], $0x2800, $0x38;
	[tilespmem:$0x1F000] =	vst v63  }
0x47: {  	_ =	swait.ge [sflag:s20], $0x2800  }
0x48: {  	[sflag:s20] =	ssyncset.done $0x0  }
0x49: {  	[sflag:s20] =	ssyncadd.s32 $0xFFFFD800  }
0x4a: {  	[tilespmem:s21], [sflag:$0x3] =	stream.linear.gather [hbm4b:s7+s1], $0x2800, $0x38;
	[tilespmem:$0x1F000] =	vst v63  }
0x4b: {  	_ =	swait.ge [sflag:s20], $0x2800  }
0x4c: {  	[sflag:s20] =	ssyncset.done $0x0  }
0x4d: {  	[sflag:s20] =	ssyncadd.s32 $0xFFFFD800  }
0x4e: {  	s31 =	simm.s32 $0x0;
	[bflag:$0x0] =	sbarrier.arrive $0xFFFF  }
0x4f: {  	[tilespmem:s23], [sflag:$0x1] =	stream.indirect.gather [hbm4b:s4+s22], $0x80, s31, s22, $0xb8;
	[tilespmem:$0x1F000] =	vst v63  }
0x50: {  	_ =	swait.ge [sflag:s24], $0x4000  }
0x51: {  	[sflag:s24] =	ssyncset.done $0x0  }
0x52: {  	s31 =	simm.s32 $0x2800;
	[sflag:s24] =	ssyncadd.s32 $0xFFFFC000  }
0x53: {  	[spmem:s2] =	stream.indirect.scatter.add.f32 [tilespmem:s23], [sflag:$0x2], $0x80, s31, s22, $0xb8;
	[tilespmem:$0x1F000] =	vst v63  }
0x54: {  	_ =	swait.ge [sflag:s26], $0x4000  }
0x55: {  	s29 =	simm.s32 $0x200;
	s30 =	simm.s32 $0x400;
	[sflag:s26] =	ssyncset.done $0x0  }
.LBB2_4:
0x56: {  	s1 =	sshra.s32 s29, $0x2  }
0x57: {  	[sflag:s26] =	ssyncadd.s32 $0xFFFFC000;
	s29 =	smov.u32 s30;
	s31 =	sadd.s32 $0x200, s30  }
0x58: {  	[tilespmem:s23], [sflag:$0x1] =	stream.indirect.gather [hbm4b:s4+s22], $0x80, s1, s22, $0xb8;
	[tilespmem:$0x1F000] =	vst v63  }
0x59: {  	p0 =	sne.s32 s30, $0x9E00;
	_ =	swait.ge [sflag:s24], $0x4000  }
.Ltmp1:
0x5a: {  	[sflag:s24] =	ssyncset.done $0x0;
	(pc) =	sbr.rel @p0 .LBB2_4-.Ltmp1, $4  }
0x5b: {  	s1 =	sadd.s32 $0x2800, s1;
	[sflag:s24] =	ssyncadd.s32 $0xFFFFC000  }
0x5c: {  	[spmem:s2] =	stream.indirect.scatter.add.f32 [tilespmem:s23], [sflag:$0x2], $0x80, s1, s22, $0xb8;
	[tilespmem:$0x1F000] =	vst v63  }
0x5d: {  	_ =	swait.ge [sflag:s26], $0x4000  }
0x5e: {  	s30 =	smov.u32 s31;
	[sflag:s26] =	ssyncset.done $0x0  }
0x5f: {  	s1 =	sshra.s32 s29, $0x2;
	[sflag:s26] =	ssyncadd.s32 $0xFFFFC000  }
0x60: {  	[tilespmem:s23], [sflag:$0x1] =	stream.indirect.gather [hbm4b:s4+s22], $0x80, s1, s22, $0xb8;
	[tilespmem:$0x1F000] =	vst v63  }
0x61: {  	_ =	swait.ge [sflag:s24], $0x4000  }
0x62: {  	[sflag:s24] =	ssyncset.done $0x0  }
0x63: {  	s1 =	sadd.s32 $0x2800, s1;
	[sflag:s24] =	ssyncadd.s32 $0xFFFFC000  }
0x64: {  	[spmem:s2] =	stream.indirect.scatter.add.f32 [tilespmem:s23], [sflag:$0x2], $0x80, s1, s22, $0xb8;
	[tilespmem:$0x1F000] =	vst v63  }
0x65: {  	_ =	swait.ge [sflag:s26], $0x4000  }
0x66: {  	s28 =	sadd.s32 $0x1, s28;
	[sflag:s26] =	ssyncset.done $0x0  }
0x67: {  	s31 =	sshll.u32 s0, $0x6;
	p0 =	sne.s32 s28, s9;
	[sflag:s26] =	ssyncadd.s32 $0xFFFFC000  }
.Ltmp2:
0x68: {  	s1 =	sor.u32 $0x1C03, s31;
	[bflag:$0x0] =	sbarrier.arrive $0xFFFF;
	(pc) =	sbr.rel @p0 .LBB2_1-.Ltmp2, $4  }
0x69: {  	[hbm:s8], [sflag:s1] =	dma.local [spmem:s25], $0x2780  }
0x6a: {  	_ =	swait.ge [sflag:s20], $0x2780  }
0x6b: {  	[sflag:s20] =	ssyncset.done $0x0  }
0x6c: {  	[sflag:s20] =	ssyncadd.s32 $0xFFFFD880  }
0x6d: {  	_ =	sfence.sel $0x180000  }
0x6e: {  	[bflag:$0x0] =	sbarrier.arrive $0xFFFF  }
0x6f: {  	_ =	strace $0x9000004A  }
0x70: {  	[bflag:$0x2] =	sbarrier.arrive $0xFFFF  }
0x71: {  	p0 =	sne.s32 s0, $0x0;
	s0 =	rddreg [dreg:$0x3]  }
0x72: {  	s0 =	sadd.s32 @!p0 $0x100000, s0  }
0x73: {  	[sflag:s0] =	ssyncadd.tile.s32 @!p0 $0x1;
	_ =	shalt  }
.Lfunc_end2:
_tile_overlayer_lowered:
.L_overlay_start_2:
0x74: {  	(tag) =	ssettag $0x2  }
0x75: {  	s0 =	rddreg [dreg:$0x0];
	s2 =	stileid.u32  }
0x76: {  	s1 =	rddreg [dreg:$0x1];
	p0 =	sne.s32 s2, $0x0  }
0x77: {  	s3 =	rddreg [dreg:$0x2];
	[bflag:$0x3] =	sbarrier.arrive $0xFFFF;
	s2 =	simm.s32 @!p0 $0x1C03  }
0x78: {  	[timem:s3], [sflag:s2] =	dma.local @!p0 [hbm:s0], s1  }
0x79: {  	s0 =	simm.s32 @!p0 $0x3  }
0x7a: {  	_ =	swait.ge @!p0 [sflag:s0], s1  }
0x7b: {  	s1 =	ssub.s32 @!p0 $0x0, s1;
	[sflag:s0] =	ssyncset.done @!p0 $0x0  }
0x7c: {  	[sflag:s0] =	ssyncadd.s32 @!p0 s1  }
0x7d: {  	[bflag:$0x3] =	sbarrier.arrive $0xFFFF  }
0x7e: {  	_ =	shalt  }

// kernel: kernel.15.cloned.1.call-start
scs
__scs_entry_jumppad:
0x0: {  	(pc) =	sbr.rel $0x88, $3  }
0x1: {  	(tag) =	ssettag $0x0;
	lr =	simm.s32 $0x1  }
0x2: {  	[smem:$0x3F99] =	sst lr;
	_ =	strace $0xD0000000  }
0x3: {  	_ = 	snop  }
0x4: {  	_ = 	snop  }
0x5: {  	_ = 	snop  }
0x6: {  	_ = 	snop  }
0x7: {  	_ = 	snop  }
__scs_overlays_trampoline_lowered:
0x8: {  	[smem:$0x3FA8] =	sst s0  }
0x9: {  	[smem:$0x3FA9] =	sst s1  }
0xa: {  	[smem:$0x3FAA] =	sst s2  }
0xb: {  	[smem:$0x3FAB] =	sst s3  }
0xc: {  	[smem:$0x3FAC] =	sst s4  }
0xd: {  	[smem:$0x3FAD] =	sst s5  }
0xe: {  	[smem:$0x3FAE] =	sst s6  }
0xf: {  	[smem:$0x3FAF] =	sst s7  }
0x10: {  	[smem:$0x3FB0] =	sst s8  }
0x11: {  	[smem:$0x3FB1] =	sst s9;
	s0 =	simm.s32 @!p0 $0x0  }
0x12: {  	s1 =	sld [smem:$0x3F97];
	s0 =	simm.s32 @p0 $0x1  }
0x13: {  	[smem:$0x3FB2] =	sst s0;
	s0 =	simm.s32 @!p1 $0x0  }
0x14: {  	s2 =	sld [smem:$0x3F96];
	s0 =	simm.s32 @p1 $0x1  }
0x15: {  	[smem:$0x3FB3] =	sst s0;
	s0 =	simm.s32 @!p2 $0x0  }
0x16: {  	s3 =	sld [smem:$0x3FDB];
	s0 =	simm.s32 @p2 $0x1  }
0x17: {  	s4 =	simm.s32 $0x1BF5;
	[smem:$0x3FB5] =	sst s0  }
0x18: {  	s0 =	sld [smem:$0x3F98];
	_ =	swait.ge [sflag:s4], $0x0  }
0x19: {  	s7 =	sld [smem:$0x3F99]  }
0x1a: {  	s8 =	sadd.s32 $0xFFFFE003, lr  }
0x1b: {  	s9 =	sadd.s32 $0xFFFFFEF7, lr;
	s5 =	simm.s32 $0xFFFFFFFF;
	p2 =	slt.u32 s8, $0xFFFFF086  }
0x1c: {  	p1 =	slt.u32 s9, $0xF7A;
	s5 =	simm.s32 @!p2 $0x0  }
0x1d: {  	s5 =	simm.s32 @p1 $0x1;
	p0 =	seq.s32 s7, s2  }
0x1e: {  	s7 =	smul.u32 @!p0 $0xF7A, s2;
	p2 =	seq.s32 @!p0 s5, $0x0  }
0x1f: {  	s9 =	smul.u32 $0xF7A, s1;
	s8 =	simm.s32 @!p0 $0x1BF5;
	p2 =	por !p2, p0  }
0x20: {  	[sflag:s8] =	ssyncset.s32 @!p0 $0xFFFFF086;
	s6 =	sadd.s32 @!p0 s3, s7;
	s7 =	simm.s32 @!p0 $0x108  }
0x21: {  	s3 =	sadd.s32 s3, s9;
	s6 =	sadd.s32 @!p0 $0x88, s6;
	s7 =	simm.s32 @p2 $0x1082  }
0x22: {  	[simem:s7], [sflag:s8] =	dma.local @!p0 [hbm:s6], $0xF7A  }
0x23: {  	s9 =	sor.u32 $0xD0000000, s2;
	s6 =	simm.s32 $0x108;
	_ =	swait.ge @!p0 [sflag:s8], $0x0  }
0x24: {  	s3 =	sadd.s32 $0x88, s3;
	s6 =	simm.s32 @!p1 $0x1082;
	[sflag:s4] =	ssyncset.s32 $0xFFFFF086  }
0x25: {  	[simem:s6], [sflag:s4] =	dma.local [hbm:s3], $0xF7A  }
0x26: {  	[smem:$0x3F99] =	sst s1;
	(tag) =	ssettag s2;
	_ =	strace s9  }
0x27: {  	s1 =	sld [smem:$0x3FA9]  }
0x28: {  	s2 =	sld [smem:$0x3FAA]  }
0x29: {  	s4 =	sld [smem:$0x3FAC]  }
0x2a: {  	p0 =	seq.s32 s5, $0x0;
	s5 =	sld [smem:$0x3FAD]  }
0x2b: {  	s6 =	sld [smem:$0x3FAE]  }
0x2c: {  	s7 =	sld [smem:$0x3FAF]  }
0x2d: {  	s3 =	simm.s32 $0x108;
	s8 =	sld [smem:$0x3FB0]  }
0x2e: {  	s3 =	simm.s32 @!p0 $0x1082;
	s9 =	sld [smem:$0x3FB1]  }
0x2f: {  	lr =	sadd.s32 s0, s3;
	s0 =	sld [smem:$0x3FA8]  }
0x30: {  	s3 =	sld [smem:$0x3FAB]  }
0x31: {  	[smem:$0x3FB4] =	sst s10  }
0x32: {  	s10 =	sld [smem:$0x3FB2];
	_ =	sdelay $0x3  }
0x33: {  	p0 =	seq.s32 s10, $0x1;
	s10 =	sld [smem:$0x3FB4];
	_ =	sdelay $0x3  }
0x34: {  	[smem:$0x3FB4] =	sst s10  }
0x35: {  	s10 =	sld [smem:$0x3FB3];
	_ =	sdelay $0x3  }
0x36: {  	p1 =	seq.s32 s10, $0x1;
	s10 =	sld [smem:$0x3FB4];
	_ =	sdelay $0x3  }
0x37: {  	[smem:$0x3FB4] =	sst s10  }
0x38: {  	s10 =	sld [smem:$0x3FB5]  }
0x39: {  	_ = 	snop;
	(pc) =	sbr.ind lr, $3  }
0x3a: {  	_ = 	snop  }
0x3b: {  	_ = 	snop  }
0x3c: {  	p2 =	seq.s32 s10, $0x1;
	s10 =	sld [smem:$0x3FB4]  }
0x3d: {  	_ =	shalt  }
0x3e: {  	_ =	shalt  }
0x3f: {  	_ =	shalt  }
0x40: {  	_ =	shalt  }
0x41: {  	_ =	shalt  }
0x42: {  	_ =	shalt  }
0x43: {  	_ =	shalt  }
0x44: {  	_ =	shalt  }
0x45: {  	_ =	shalt  }
0x46: {  	_ =	shalt  }
0x47: {  	_ =	shalt  }
0x48: {  	_ =	shalt  }
0x49: {  	_ =	shalt  }
0x4a: {  	_ =	shalt  }
0x4b: {  	_ =	shalt  }
0x4c: {  	_ =	shalt  }
0x4d: {  	_ =	shalt  }
0x4e: {  	_ =	shalt  }
0x4f: {  	_ =	shalt  }
0x50: {  	_ =	shalt  }
0x51: {  	_ =	shalt  }
0x52: {  	_ =	shalt  }
0x53: {  	_ =	shalt  }
0x54: {  	_ =	shalt  }
0x55: {  	_ =	shalt  }
0x56: {  	_ =	shalt  }
0x57: {  	_ =	shalt  }
0x58: {  	_ =	shalt  }
0x59: {  	_ =	shalt  }
0x5a: {  	_ =	shalt  }
0x5b: {  	_ =	shalt  }
0x5c: {  	_ =	shalt  }
0x5d: {  	_ =	shalt  }
0x5e: {  	_ =	shalt  }
0x5f: {  	_ =	shalt  }
0x60: {  	_ =	shalt  }
0x61: {  	_ =	shalt  }
0x62: {  	_ =	shalt  }
0x63: {  	_ =	shalt  }
0x64: {  	_ =	shalt  }
0x65: {  	_ =	shalt  }
0x66: {  	_ =	shalt  }
0x67: {  	_ =	shalt  }
0x68: {  	_ =	shalt  }
0x69: {  	_ =	shalt  }
0x6a: {  	_ =	shalt  }
0x6b: {  	_ =	shalt  }
0x6c: {  	_ =	shalt  }
0x6d: {  	_ =	shalt  }
0x6e: {  	_ =	shalt  }
0x6f: {  	_ =	shalt  }
0x70: {  	_ =	shalt  }
0x71: {  	_ =	shalt  }
0x72: {  	_ =	shalt  }
0x73: {  	_ =	shalt  }
0x74: {  	_ =	shalt  }
0x75: {  	_ =	shalt  }
0x76: {  	_ =	shalt  }
0x77: {  	_ =	shalt  }
0x78: {  	_ =	shalt  }
0x79: {  	_ =	shalt  }
0x7a: {  	_ =	shalt  }
0x7b: {  	_ =	shalt  }
0x7c: {  	_ =	shalt  }
0x7d: {  	_ =	shalt  }
0x7e: {  	_ =	shalt  }
0x7f: {  	_ =	shalt  }
0x80: {  	_ =	shalt  }
0x81: {  	_ =	shalt  }
0x82: {  	_ =	shalt  }
0x83: {  	_ =	shalt  }
0x84: {  	_ =	shalt  }
0x85: {  	_ =	shalt  }
0x86: {  	_ =	shalt  }
0x87: {  	_ =	shalt  }
.Lfunc_end0:
.L_simem_size_0:
called_computation.2_lowered:
.L_overlay_start_0:
0x88: {  	s2 =	sld [smem:$0x3FD9]  }
0x89: {  	s3 =	sld [smem:$0x3FFE];
	_ =	sdelay $0x1  }
0x8a: {  	s1 =	srdreg.scid  }
0x8b: {  	s0 =	sand.u32 $0x1, s1  }
0x8c: {  	s17 =	sshll.u32 s0, $0xA;
	s2 =	sadd.s32 s3, s2  }
0x8d: {  	s2 =	sadd.s32 s2, s17  }
0x8e: {  	[smem:$0x3FC0] =	sst s2  }
0x8f: {  	_ = 	snop  }
0x90: {  	s2 =	sld [smem:$0x3FD0];
	(tm) =	ssettm $0x1  }
0x91: {  	s18 =	sld [smem:$0x3FFB];
	_ =	sdelay $0x3  }
0x92: {  	_ =	strace s18  }
0x93: {  	s3 =	sld [smem:$0x3FFC];
	_ =	sdelay $0x3  }
0x94: {  	_ =	strace s3  }
0x95: {  	s3 =	sld [smem:$0x3FFD];
	_ =	sdelay $0x3  }
0x96: {  	_ =	strace s3  }
0x97: {  	_ =	strace $0x8FFFFFFF  }
0x98: {  	s19 =	sld [smem:$0x3FDB];
	_ =	sdelay $0x1  }
0x99: {  	s4 =	simm.s32 $_scs_section_size  }
0x9a: {  	s5 =	simm.s32 $_size__tile_overlayer_lowered;
	s6 =	simm.s32 $_tile_overlayer_lowered  }
0x9b: {  	s22 =	simm.s32 $0x1BFF;
	s21 =	sshll.u32 s6, $0x1;
	s3 =	sadd.s32 s4, s19  }
0x9c: {  	s7 =	simm.s32 $0x0;
	s20 =	sshll.u32 s5, $0x1;
	s5 =	sadd.s32 s21, s3  }
0x9d: {  	[timem:s7], [sflag:s22] =	dma.local [hbm:s5], s20  }
0x9e: {  	_ =	swait.ge [sflag:s22], s20  }
0x9f: {  	s4 =	ssub.s32 $0x0, s20;
	[sflag:s22] =	ssyncset.done $0x0  }
0xa0: {  	[sflag:s22] =	ssyncadd.s32 s4;
	_ =	sdelay $0x1  }
0xa1: {  	s23 =	simm.s32 $0x1B8B  }
0xa2: {  	_ =	swait.ge [sflag:s23], $0x1  }
0xa3: {  	[sflag:s23] =	ssyncset.done $0x0  }
0xa4: {  	s25 =	simm.s32 $0x1B8E;
	s24 =	sld [smem:$0x3FFE];
	[sflag:s23] =	ssyncadd.s32 $0xFFFFFFFF  }
0xa5: {  	s26 =	simm.s32 $execute0_lowered;
	[smem:$0x3FD2] =	sst s25  }
0xa6: {  	s5 =	sshll.u32 s26, $0x1;
	_ =	strace $0x8000004C;
	[dreg:$0x1] =	wrdreg $0xFFFFFFFF  }
0xa7: {  	s28 =	simm.s32 $_size_execute0_lowered;
	s3 =	sadd.s32 s3, s5;
	[dreg:$0x0] =	wrdreg $0x0  }
0xa8: {  	s5 =	sshll.u32 s28, $0x1;
	[dreg:$0x2] =	wrdreg s3  }
0xa9: {  	[dreg:$0x3] =	wrdreg s5  }
0xaa: {  	[dreg:$0x4] =	wrdreg $0xC0  }
0xab: {  	_ =	task [dreg:s7], $0x5FFFF  }
0xac: {  	[dreg:$0x1] =	wrdreg $0xFFFFFFFF  }
0xad: {  	[dreg:$0x0] =	wrdreg $0x60  }
0xae: {  	[dreg:$0x2] =	wrdreg s2  }
0xaf: {  	[dreg:$0x3] =	wrdreg s24  }
0xb0: {  	[dreg:$0x4] =	wrdreg $0xB0000  }
0xb1: {  	[dreg:$0x5] =	wrdreg $0x9  }
0xb2: {  	_ =	task.clear_ibuf [dreg:s7], $0x6FFFF;
	_ =	strace $0x9000004C  }
0xb3: {  	s29 =	simm.s32 $0x9;
	_ =	strace $0x8000004E  }
0xb4: {  	_ =	swait.ge [sflag:s29], $0x1  }
0xb5: {  	[sflag:s29] =	ssyncadd.s32 $0xFFFFFFFF  }
0xb6: {  	_ =	strace $0x9000004E  }
0xb7: {  	_ =	sfence  }
0xb8: {  	s30 =	sld [smem:$0x0];
	_ =	sdelay $0x2  }
0xb9: {  	s31 =	sshll.u32 s1, $0xD;
	s1 =	sshrl.u32 s1, $0x2  }
0xba: {  	s3 =	sand.u32 $0x4000, s31;
	s1 =	sadd.s32 s1, s30  }
0xbb: {  	s0 =	sor.u32 s3, s0;
	s1 =	sshll.u32 s1, $0x11  }
0xbc: {  	s0 =	sor.u32 s1, s0  }
0xbd: {  	s0 =	sadd.s32 $0x8F2B, s0  }
0xbe: {  	[sflag:s0] =	ssyncadd.remote.s32 $0x1  }
0xbf: {  	_ =	sfence.sel $0xFFFF  }
0xc0: {  	[dreg:$0x0] =	wrdreg $0xFFFFFFFF;
	(pc) =	sbr.abs _section_cstart, $3  }
0xc1: {  	[dreg:$0x1] =	wrdreg $0xFFFFFFFF  }
0xc2: {  	_ =	task.clear_ibuf [dreg:s7], $0x2FFFF;
	_ =	strace $0x9FFFFFFF  }
0xc3: {  	(tm) =	ssettm $0x7FFFFFFF  }
tec
execute0_lowered:
.L_overlay_start_1:
0x0: {  	(tag) =	ssettag $0x1  }
0x1: {  	s6 =	rddreg [dreg:$0x0]  }
0x2: {  	s5 =	rddreg [dreg:$0x1]  }
0x3: {  	s0 =	srdreg.scid;
	s2 =	rddreg [dreg:$0x2];
	s3 =	simm.s32 $0x0  }
0x4: {  	s19 =	simm.s32 $0x9000;
	s20 =	simm.s32 $0x3;
	s7 =	sand.u32 $0x1, s0  }
0x5: {  	s21 =	simm.s32 $0x2800;
	s0 =	stileid.u32;
	s4 =	smul.u32 $0x28000, s7  }
0x6: {  	s22 =	simm.s32 $0x80;
	s23 =	simm.s32 $0x5000;
	s8 =	smul.u32 $0x2800, s0  }
0x7: {  	s24 =	simm.s32 $0x1;
	s26 =	simm.s32 $0x2;
	s29 =	smul.u32 $0x27800, s7  }
0x8: {  	s28 =	simm.s32 $0x0;
	[smem:$0x7FF] =	sst s3;
	s10 =	smul.u32 $0x2780, s0  }
0x9: {  	_ =	strace $0x8000004D;
	s12 =	smul.u32 $0x50000, s0;
	s7 =	ssub.s32 $0x2, s7  }
0xa: {  	s13 =	smul.u32 $0x4F000, s0;
	s30 =	sshrl.u32 s7, $0x1;
	s4 =	sadd.s32 s8, s4  }
0xb: {  	s8 =	sadd.s32 s10, s29;
	s12 =	sshrl.u32 s12, $0x2;
	s10 =	ssub.s32 s7, s30  }
0xc: {  	s31 =	sshrl.u32 s13, $0x2;
	s9 =	sshrl.u32 s4, $0x3;
	s4 =	sadd.s32 $0xD800, s5  }
0xd: {  	s8 =	sadd.s32 s8, s5;
	s25 =	sadd.s32 s31, s2;
	s11 =	sadd.s32 s9, s5  }
0xe: {  	s5 =	sadd.s32 s12, s2;
	s6 =	sadd.s32 s6, s9;
	s8 =	sadd.s32 $0x5BC00, s8  }
0xf: {  	s9 =	smax.u32 s10, $0x1;
	s25 =	sshrl.u32 s25, $0x3;
	s7 =	sadd.s32 $0x3800, s11  }
0x10: {  	s10 =	sadd.s32 $0x2000, s5;
	s11 =	sadd.s32 $0x4000, s5;
	s12 =	sadd.s32 $0x6000, s5  }
0x11: {  	s13 =	sadd.s32 $0x8000, s5;
	s14 =	sadd.s32 $0xA000, s5;
	s15 =	sadd.s32 $0xC000, s5  }
0x12: {  	v0 =	vimm.f32 $0.0e+00;
	s16 =	sadd.s32 $0xE000, s5;
	s17 =	sadd.s32 $0x10000, s5;
	s18 =	sadd.s32 $0x12000, s5  }
.LBB2_1:
0x13: {  	s29 =	sand.u32 $0x7E00, s3  }
0x14: {  	s30 =	sand.u32 $0x70, s3;
	s31 =	sshrl.u32 s29, $0x2  }
0x15: {  	s29 =	simm.s32 $0x40;
	s31 =	sor.u32 s30, s31;
	s30 =	simm.s32 $0x0  }
.LBB2_2:
0x16: {  	p0 =	sne.s32 s29, $0x7FC0  }
0x17: {  	[tilespmem:s31+$0x9000] =	vst v0;
	s30 =	sadd.s32 $0x10, s30;
	s31 =	smov.u32 s29;
	s29 =	sadd.s32 $0x40, s29  }
.Ltmp0:
0x18: {  	(pc) =	sbr.rel @p0 .LBB2_2-.Ltmp0, $4  }
0x19: {  	_ = 	snop  }
0x1a: {  	s31 =	sand.u32 $0x7E00, s31  }
0x1b: {  	s1 =	sand.u32 $0x70, s30;
	s31 =	sshrl.u32 s31, $0x2  }
0x1c: {  	s31 =	sor.u32 s1, s31  }
0x1d: {  	[tilespmem:s31+$0x9000] =	vst v0  }
0x1e: {  	[spmem:s5] =	stream.linear.scatter [tilespmem:s19], [sflag:$0x3], $0x2000, $0x38;
	[tilespmem:$0x1F000] =	vst v63  }
0x1f: {  	_ =	swait.ge [sflag:s20], $0x2000  }
0x20: {  	[sflag:s20] =	ssyncset.done $0x0  }
0x21: {  	[sflag:s20] =	ssyncadd.s32 $0xFFFFE000  }
0x22: {  	[spmem:s10] =	stream.linear.scatter [tilespmem:s19], [sflag:$0x3], $0x2000, $0x38;
	[tilespmem:$0x1F000] =	vst v63  }
0x23: {  	_ =	swait.ge [sflag:s20], $0x2000  }
0x24: {  	[sflag:s20] =	ssyncset.done $0x0  }
0x25: {  	[sflag:s20] =	ssyncadd.s32 $0xFFFFE000  }
0x26: {  	[spmem:s11] =	stream.linear.scatter [tilespmem:s19], [sflag:$0x3], $0x2000, $0x38;
	[tilespmem:$0x1F000] =	vst v63  }
0x27: {  	_ =	swait.ge [sflag:s20], $0x2000  }
0x28: {  	[sflag:s20] =	ssyncset.done $0x0  }
0x29: {  	[sflag:s20] =	ssyncadd.s32 $0xFFFFE000  }
0x2a: {  	[spmem:s12] =	stream.linear.scatter [tilespmem:s19], [sflag:$0x3], $0x2000, $0x38;
	[tilespmem:$0x1F000] =	vst v63  }
0x2b: {  	_ =	swait.ge [sflag:s20], $0x2000  }
0x2c: {  	[sflag:s20] =	ssyncset.done $0x0  }
0x2d: {  	[sflag:s20] =	ssyncadd.s32 $0xFFFFE000  }
0x2e: {  	[spmem:s13] =	stream.linear.scatter [tilespmem:s19], [sflag:$0x3], $0x2000, $0x38;
	[tilespmem:$0x1F000] =	vst v63  }
0x2f: {  	_ =	swait.ge [sflag:s20], $0x2000  }
0x30: {  	[sflag:s20] =	ssyncset.done $0x0  }
0x31: {  	[sflag:s20] =	ssyncadd.s32 $0xFFFFE000  }
0x32: {  	[spmem:s14] =	stream.linear.scatter [tilespmem:s19], [sflag:$0x3], $0x2000, $0x38;
	[tilespmem:$0x1F000] =	vst v63  }
0x33: {  	_ =	swait.ge [sflag:s20], $0x2000  }
0x34: {  	[sflag:s20] =	ssyncset.done $0x0  }
0x35: {  	[sflag:s20] =	ssyncadd.s32 $0xFFFFE000  }
0x36: {  	[spmem:s15] =	stream.linear.scatter [tilespmem:s19], [sflag:$0x3], $0x2000, $0x38;
	[tilespmem:$0x1F000] =	vst v63  }
0x37: {  	_ =	swait.ge [sflag:s20], $0x2000  }
0x38: {  	[sflag:s20] =	ssyncset.done $0x0  }
0x39: {  	[sflag:s20] =	ssyncadd.s32 $0xFFFFE000  }
0x3a: {  	[spmem:s16] =	stream.linear.scatter [tilespmem:s19], [sflag:$0x3], $0x2000, $0x38;
	[tilespmem:$0x1F000] =	vst v63  }
0x3b: {  	_ =	swait.ge [sflag:s20], $0x2000  }
0x3c: {  	[sflag:s20] =	ssyncset.done $0x0  }
0x3d: {  	[sflag:s20] =	ssyncadd.s32 $0xFFFFE000  }
0x3e: {  	[spmem:s17] =	stream.linear.scatter [tilespmem:s19], [sflag:$0x3], $0x2000, $0x38;
	[tilespmem:$0x1F000] =	vst v63  }
0x3f: {  	_ =	swait.ge [sflag:s20], $0x2000  }
0x40: {  	[sflag:s20] =	ssyncset.done $0x0  }
0x41: {  	[sflag:s20] =	ssyncadd.s32 $0xFFFFE000  }
0x42: {  	[spmem:s18] =	stream.linear.scatter [tilespmem:s19], [sflag:$0x3], $0x2000, $0x38;
	[tilespmem:$0x1F000] =	vst v63  }
0x43: {  	_ =	swait.ge [sflag:s20], $0x2000  }
0x44: {  	[sflag:s20] =	ssyncset.done $0x0  }
0x45: {  	s1 =	simm.s32 $0x0;
	[sflag:s20] =	ssyncadd.s32 $0xFFFFE000  }
0x46: {  	[tilespmem:s1], [sflag:$0x3] =	stream.linear.gather [hbm4b:s6+s1], $0x2800, $0x38;
	[tilespmem:$0x1F000] =	vst v63  }
0x47: {  	_ =	swait.ge [sflag:s20], $0x2800  }
0x48: {  	[sflag:s20] =	ssyncset.done $0x0  }
0x49: {  	[sflag:s20] =	ssyncadd.s32 $0xFFFFD800  }
0x4a: {  	[tilespmem:s21], [sflag:$0x3] =	stream.linear.gather [hbm4b:s7+s1], $0x2800, $0x38;
	[tilespmem:$0x1F000] =	vst v63  }
0x4b: {  	_ =	swait.ge [sflag:s20], $0x2800  }
0x4c: {  	[sflag:s20] =	ssyncset.done $0x0  }
0x4d: {  	[sflag:s20] =	ssyncadd.s32 $0xFFFFD800  }
0x4e: {  	s31 =	simm.s32 $0x0;
	[bflag:$0x0] =	sbarrier.arrive $0xFFFF  }
0x4f: {  	[tilespmem:s23], [sflag:$0x1] =	stream.indirect.gather [hbm4b:s4+s22], $0x80, s31, s22, $0xb8;
	[tilespmem:$0x1F000] =	vst v63  }
0x50: {  	_ =	swait.ge [sflag:s24], $0x4000  }
0x51: {  	[sflag:s24] =	ssyncset.done $0x0  }
0x52: {  	s31 =	simm.s32 $0x2800;
	[sflag:s24] =	ssyncadd.s32 $0xFFFFC000  }
0x53: {  	[spmem:s2] =	stream.indirect.scatter.add.f32 [tilespmem:s23], [sflag:$0x2], $0x80, s31, s22, $0xb8;
	[tilespmem:$0x1F000] =	vst v63  }
0x54: {  	_ =	swait.ge [sflag:s26], $0x4000  }
0x55: {  	s29 =	simm.s32 $0x200;
	s30 =	simm.s32 $0x400;
	[sflag:s26] =	ssyncset.done $0x0  }
.LBB2_4:
0x56: {  	s1 =	sshra.s32 s29, $0x2  }
0x57: {  	[sflag:s26] =	ssyncadd.s32 $0xFFFFC000;
	s29 =	smov.u32 s30;
	s31 =	sadd.s32 $0x200, s30  }
0x58: {  	[tilespmem:s23], [sflag:$0x1] =	stream.indirect.gather [hbm4b:s4+s22], $0x80, s1, s22, $0xb8;
	[tilespmem:$0x1F000] =	vst v63  }
0x59: {  	p0 =	sne.s32 s30, $0x9E00;
	_ =	swait.ge [sflag:s24], $0x4000  }
.Ltmp1:
0x5a: {  	[sflag:s24] =	ssyncset.done $0x0;
	(pc) =	sbr.rel @p0 .LBB2_4-.Ltmp1, $4  }
0x5b: {  	s1 =	sadd.s32 $0x2800, s1;
	[sflag:s24] =	ssyncadd.s32 $0xFFFFC000  }
0x5c: {  	[spmem:s2] =	stream.indirect.scatter.add.f32 [tilespmem:s23], [sflag:$0x2], $0x80, s1, s22, $0xb8;
	[tilespmem:$0x1F000] =	vst v63  }
0x5d: {  	_ =	swait.ge [sflag:s26], $0x4000  }
0x5e: {  	s30 =	smov.u32 s31;
	[sflag:s26] =	ssyncset.done $0x0  }
0x5f: {  	s1 =	sshra.s32 s29, $0x2;
	[sflag:s26] =	ssyncadd.s32 $0xFFFFC000  }
0x60: {  	[tilespmem:s23], [sflag:$0x1] =	stream.indirect.gather [hbm4b:s4+s22], $0x80, s1, s22, $0xb8;
	[tilespmem:$0x1F000] =	vst v63  }
0x61: {  	_ =	swait.ge [sflag:s24], $0x4000  }
0x62: {  	[sflag:s24] =	ssyncset.done $0x0  }
0x63: {  	s1 =	sadd.s32 $0x2800, s1;
	[sflag:s24] =	ssyncadd.s32 $0xFFFFC000  }
0x64: {  	[spmem:s2] =	stream.indirect.scatter.add.f32 [tilespmem:s23], [sflag:$0x2], $0x80, s1, s22, $0xb8;
	[tilespmem:$0x1F000] =	vst v63  }
0x65: {  	_ =	swait.ge [sflag:s26], $0x4000  }
0x66: {  	s28 =	sadd.s32 $0x1, s28;
	[sflag:s26] =	ssyncset.done $0x0  }
0x67: {  	s31 =	sshll.u32 s0, $0x6;
	p0 =	sne.s32 s28, s9;
	[sflag:s26] =	ssyncadd.s32 $0xFFFFC000  }
.Ltmp2:
0x68: {  	s1 =	sor.u32 $0x1C03, s31;
	[bflag:$0x0] =	sbarrier.arrive $0xFFFF;
	(pc) =	sbr.rel @p0 .LBB2_1-.Ltmp2, $4  }
0x69: {  	[hbm:s8], [sflag:s1] =	dma.local [spmem:s25], $0x2780  }
0x6a: {  	_ =	swait.ge [sflag:s20], $0x2780  }
0x6b: {  	[sflag:s20] =	ssyncset.done $0x0  }
0x6c: {  	[sflag:s20] =	ssyncadd.s32 $0xFFFFD880  }
0x6d: {  	_ =	sfence.sel $0x180000  }
0x6e: {  	[bflag:$0x0] =	sbarrier.arrive $0xFFFF  }
0x6f: {  	_ =	strace $0x9000004D  }
0x70: {  	[bflag:$0x2] =	sbarrier.arrive $0xFFFF  }
0x71: {  	p0 =	sne.s32 s0, $0x0;
	s0 =	rddreg [dreg:$0x3]  }
0x72: {  	s0 =	sadd.s32 @!p0 $0x100000, s0  }
0x73: {  	[sflag:s0] =	ssyncadd.tile.s32 @!p0 $0x1;
	_ =	shalt  }
.Lfunc_end2:
_tile_overlayer_lowered:
.L_overlay_start_2:
0x74: {  	(tag) =	ssettag $0x2  }
0x75: {  	s0 =	rddreg [dreg:$0x0];
	s2 =	stileid.u32  }
0x76: {  	s1 =	rddreg [dreg:$0x1];
	p0 =	sne.s32 s2, $0x0  }
0x77: {  	s3 =	rddreg [dreg:$0x2];
	[bflag:$0x3] =	sbarrier.arrive $0xFFFF;
	s2 =	simm.s32 @!p0 $0x1C03  }
0x78: {  	[timem:s3], [sflag:s2] =	dma.local @!p0 [hbm:s0], s1  }
0x79: {  	s0 =	simm.s32 @!p0 $0x3  }
0x7a: {  	_ =	swait.ge @!p0 [sflag:s0], s1  }
0x7b: {  	s1 =	ssub.s32 @!p0 $0x0, s1;
	[sflag:s0] =	ssyncset.done @!p0 $0x0  }
0x7c: {  	[sflag:s0] =	ssyncadd.s32 @!p0 s1  }
0x7d: {  	[bflag:$0x3] =	sbarrier.arrive $0xFFFF  }
0x7e: {  	_ =	shalt  }

// kernel: kernel.9.cloned.1.call-start
scs
__scs_entry_jumppad:
0x0: {  	(pc) =	sbr.rel $0x88, $3  }
0x1: {  	(tag) =	ssettag $0x0;
	lr =	simm.s32 $0x1  }
0x2: {  	[smem:$0x3F99] =	sst lr;
	_ =	strace $0xD0000000  }
0x3: {  	_ = 	snop  }
0x4: {  	_ = 	snop  }
0x5: {  	_ = 	snop  }
0x6: {  	_ = 	snop  }
0x7: {  	_ = 	snop  }
__scs_overlays_trampoline_lowered:
0x8: {  	[smem:$0x3FA8] =	sst s0  }
0x9: {  	[smem:$0x3FA9] =	sst s1  }
0xa: {  	[smem:$0x3FAA] =	sst s2  }
0xb: {  	[smem:$0x3FAB] =	sst s3  }
0xc: {  	[smem:$0x3FAC] =	sst s4  }
0xd: {  	[smem:$0x3FAD] =	sst s5  }
0xe: {  	[smem:$0x3FAE] =	sst s6  }
0xf: {  	[smem:$0x3FAF] =	sst s7  }
0x10: {  	[smem:$0x3FB0] =	sst s8  }
0x11: {  	[smem:$0x3FB1] =	sst s9;
	s0 =	simm.s32 @!p0 $0x0  }
0x12: {  	s1 =	sld [smem:$0x3F97];
	s0 =	simm.s32 @p0 $0x1  }
0x13: {  	[smem:$0x3FB2] =	sst s0;
	s0 =	simm.s32 @!p1 $0x0  }
0x14: {  	s2 =	sld [smem:$0x3F96];
	s0 =	simm.s32 @p1 $0x1  }
0x15: {  	[smem:$0x3FB3] =	sst s0;
	s0 =	simm.s32 @!p2 $0x0  }
0x16: {  	s3 =	sld [smem:$0x3FDB];
	s0 =	simm.s32 @p2 $0x1  }
0x17: {  	s4 =	simm.s32 $0x1BF5;
	[smem:$0x3FB5] =	sst s0  }
0x18: {  	s0 =	sld [smem:$0x3F98];
	_ =	swait.ge [sflag:s4], $0x0  }
0x19: {  	s7 =	sld [smem:$0x3F99]  }
0x1a: {  	s8 =	sadd.s32 $0xFFFFE003, lr  }
0x1b: {  	s9 =	sadd.s32 $0xFFFFFEF7, lr;
	s5 =	simm.s32 $0xFFFFFFFF;
	p2 =	slt.u32 s8, $0xFFFFF086  }
0x1c: {  	p1 =	slt.u32 s9, $0xF7A;
	s5 =	simm.s32 @!p2 $0x0  }
0x1d: {  	s5 =	simm.s32 @p1 $0x1;
	p0 =	seq.s32 s7, s2  }
0x1e: {  	s7 =	smul.u32 @!p0 $0xF7A, s2;
	p2 =	seq.s32 @!p0 s5, $0x0  }
0x1f: {  	s9 =	smul.u32 $0xF7A, s1;
	s8 =	simm.s32 @!p0 $0x1BF5;
	p2 =	por !p2, p0  }
0x20: {  	[sflag:s8] =	ssyncset.s32 @!p0 $0xFFFFF086;
	s6 =	sadd.s32 @!p0 s3, s7;
	s7 =	simm.s32 @!p0 $0x108  }
0x21: {  	s3 =	sadd.s32 s3, s9;
	s6 =	sadd.s32 @!p0 $0x88, s6;
	s7 =	simm.s32 @p2 $0x1082  }
0x22: {  	[simem:s7], [sflag:s8] =	dma.local @!p0 [hbm:s6], $0xF7A  }
0x23: {  	s9 =	sor.u32 $0xD0000000, s2;
	s6 =	simm.s32 $0x108;
	_ =	swait.ge @!p0 [sflag:s8], $0x0  }
0x24: {  	s3 =	sadd.s32 $0x88, s3;
	s6 =	simm.s32 @!p1 $0x1082;
	[sflag:s4] =	ssyncset.s32 $0xFFFFF086  }
0x25: {  	[simem:s6], [sflag:s4] =	dma.local [hbm:s3], $0xF7A  }
0x26: {  	[smem:$0x3F99] =	sst s1;
	(tag) =	ssettag s2;
	_ =	strace s9  }
0x27: {  	s1 =	sld [smem:$0x3FA9]  }
0x28: {  	s2 =	sld [smem:$0x3FAA]  }
0x29: {  	s4 =	sld [smem:$0x3FAC]  }
0x2a: {  	p0 =	seq.s32 s5, $0x0;
	s5 =	sld [smem:$0x3FAD]  }
0x2b: {  	s6 =	sld [smem:$0x3FAE]  }
0x2c: {  	s7 =	sld [smem:$0x3FAF]  }
0x2d: {  	s3 =	simm.s32 $0x108;
	s8 =	sld [smem:$0x3FB0]  }
0x2e: {  	s3 =	simm.s32 @!p0 $0x1082;
	s9 =	sld [smem:$0x3FB1]  }
0x2f: {  	lr =	sadd.s32 s0, s3;
	s0 =	sld [smem:$0x3FA8]  }
0x30: {  	s3 =	sld [smem:$0x3FAB]  }
0x31: {  	[smem:$0x3FB4] =	sst s10  }
0x32: {  	s10 =	sld [smem:$0x3FB2];
	_ =	sdelay $0x3  }
0x33: {  	p0 =	seq.s32 s10, $0x1;
	s10 =	sld [smem:$0x3FB4];
	_ =	sdelay $0x3  }
0x34: {  	[smem:$0x3FB4] =	sst s10  }
0x35: {  	s10 =	sld [smem:$0x3FB3];
	_ =	sdelay $0x3  }
0x36: {  	p1 =	seq.s32 s10, $0x1;
	s10 =	sld [smem:$0x3FB4];
	_ =	sdelay $0x3  }
0x37: {  	[smem:$0x3FB4] =	sst s10  }
0x38: {  	s10 =	sld [smem:$0x3FB5]  }
0x39: {  	_ = 	snop;
	(pc) =	sbr.ind lr, $3  }
0x3a: {  	_ = 	snop  }
0x3b: {  	_ = 	snop  }
0x3c: {  	p2 =	seq.s32 s10, $0x1;
	s10 =	sld [smem:$0x3FB4]  }
0x3d: {  	_ =	shalt  }
0x3e: {  	_ =	shalt  }
0x3f: {  	_ =	shalt  }
0x40: {  	_ =	shalt  }
0x41: {  	_ =	shalt  }
0x42: {  	_ =	shalt  }
0x43: {  	_ =	shalt  }
0x44: {  	_ =	shalt  }
0x45: {  	_ =	shalt  }
0x46: {  	_ =	shalt  }
0x47: {  	_ =	shalt  }
0x48: {  	_ =	shalt  }
0x49: {  	_ =	shalt  }
0x4a: {  	_ =	shalt  }
0x4b: {  	_ =	shalt  }
0x4c: {  	_ =	shalt  }
0x4d: {  	_ =	shalt  }
0x4e: {  	_ =	shalt  }
0x4f: {  	_ =	shalt  }
0x50: {  	_ =	shalt  }
0x51: {  	_ =	shalt  }
0x52: {  	_ =	shalt  }
0x53: {  	_ =	shalt  }
0x54: {  	_ =	shalt  }
0x55: {  	_ =	shalt  }
0x56: {  	_ =	shalt  }
0x57: {  	_ =	shalt  }
0x58: {  	_ =	shalt  }
0x59: {  	_ =	shalt  }
0x5a: {  	_ =	shalt  }
0x5b: {  	_ =	shalt  }
0x5c: {  	_ =	shalt  }
0x5d: {  	_ =	shalt  }
0x5e: {  	_ =	shalt  }
0x5f: {  	_ =	shalt  }
0x60: {  	_ =	shalt  }
0x61: {  	_ =	shalt  }
0x62: {  	_ =	shalt  }
0x63: {  	_ =	shalt  }
0x64: {  	_ =	shalt  }
0x65: {  	_ =	shalt  }
0x66: {  	_ =	shalt  }
0x67: {  	_ =	shalt  }
0x68: {  	_ =	shalt  }
0x69: {  	_ =	shalt  }
0x6a: {  	_ =	shalt  }
0x6b: {  	_ =	shalt  }
0x6c: {  	_ =	shalt  }
0x6d: {  	_ =	shalt  }
0x6e: {  	_ =	shalt  }
0x6f: {  	_ =	shalt  }
0x70: {  	_ =	shalt  }
0x71: {  	_ =	shalt  }
0x72: {  	_ =	shalt  }
0x73: {  	_ =	shalt  }
0x74: {  	_ =	shalt  }
0x75: {  	_ =	shalt  }
0x76: {  	_ =	shalt  }
0x77: {  	_ =	shalt  }
0x78: {  	_ =	shalt  }
0x79: {  	_ =	shalt  }
0x7a: {  	_ =	shalt  }
0x7b: {  	_ =	shalt  }
0x7c: {  	_ =	shalt  }
0x7d: {  	_ =	shalt  }
0x7e: {  	_ =	shalt  }
0x7f: {  	_ =	shalt  }
0x80: {  	_ =	shalt  }
0x81: {  	_ =	shalt  }
0x82: {  	_ =	shalt  }
0x83: {  	_ =	shalt  }
0x84: {  	_ =	shalt  }
0x85: {  	_ =	shalt  }
0x86: {  	_ =	shalt  }
0x87: {  	_ =	shalt  }
.Lfunc_end0:
.L_simem_size_0:
called_computation_lowered:
.L_overlay_start_0:
0x88: {  	s2 =	sld [smem:$0x3FD9]  }
0x89: {  	s3 =	sld [smem:$0x3FFE];
	_ =	sdelay $0x1  }
0x8a: {  	s1 =	srdreg.scid  }
0x8b: {  	s0 =	sand.u32 $0x1, s1  }
0x8c: {  	s16 =	sshll.u32 s0, $0xA;
	s2 =	sadd.s32 s3, s2  }
0x8d: {  	s2 =	sadd.s32 s2, s16  }
0x8e: {  	[smem:$0x3FC0] =	sst s2  }
0x8f: {  	_ = 	snop  }
0x90: {  	(tm) =	ssettm $0x1  }
0x91: {  	s17 =	sld [smem:$0x3FFB];
	_ =	sdelay $0x3  }
0x92: {  	_ =	strace s17  }
0x93: {  	s2 =	sld [smem:$0x3FFC];
	_ =	sdelay $0x3  }
0x94: {  	_ =	strace s2  }
0x95: {  	s2 =	sld [smem:$0x3FFD];
	_ =	sdelay $0x3  }
0x96: {  	_ =	strace s2  }
0x97: {  	_ =	strace $0x8FFFFFFF  }
0x98: {  	s18 =	sld [smem:$0x3FDB];
	_ =	sdelay $0x1  }
0x99: {  	s19 =	simm.s32 $_scs_section_size  }
0x9a: {  	s4 =	simm.s32 $_size__tile_overlayer_lowered;
	s5 =	simm.s32 $_tile_overlayer_lowered  }
0x9b: {  	s22 =	simm.s32 $0x1BFF;
	s21 =	sshll.u32 s5, $0x1;
	s2 =	sadd.s32 s19, s18  }
0x9c: {  	s6 =	simm.s32 $0x0;
	s20 =	sshll.u32 s4, $0x1;
	s4 =	sadd.s32 s21, s2  }
0x9d: {  	[timem:s6], [sflag:s22] =	dma.local [hbm:s4], s20  }
0x9e: {  	_ =	swait.ge [sflag:s22], s20  }
0x9f: {  	s3 =	ssub.s32 $0x0, s20;
	[sflag:s22] =	ssyncset.done $0x0  }
0xa0: {  	[sflag:s22] =	ssyncadd.s32 s3;
	_ =	sdelay $0x1  }
0xa1: {  	s23 =	simm.s32 $0x1B8B  }
0xa2: {  	_ =	swait.ge [sflag:s23], $0x1  }
0xa3: {  	[sflag:s23] =	ssyncset.done $0x0  }
0xa4: {  	s25 =	simm.s32 $0x1B8E;
	s24 =	sld [smem:$0x3FFE];
	[sflag:s23] =	ssyncadd.s32 $0xFFFFFFFF  }
0xa5: {  	s26 =	simm.s32 $execute0_lowered;
	[smem:$0x3FD2] =	sst s25  }
0xa6: {  	s4 =	sshll.u32 s26, $0x1;
	_ =	strace $0x80000046;
	[dreg:$0x1] =	wrdreg $0xFFFFFFFF  }
0xa7: {  	s28 =	simm.s32 $_size_execute0_lowered;
	s2 =	sadd.s32 s2, s4;
	[dreg:$0x0] =	wrdreg $0x0  }
0xa8: {  	s4 =	sshll.u32 s28, $0x1;
	[dreg:$0x2] =	wrdreg s2  }
0xa9: {  	[dreg:$0x3] =	wrdreg s4  }
0xaa: {  	[dreg:$0x4] =	wrdreg $0xC0  }
0xab: {  	_ =	task [dreg:s6], $0x5FFFF  }
0xac: {  	[dreg:$0x1] =	wrdreg $0xFFFFFFFF  }
0xad: {  	[dreg:$0x0] =	wrdreg $0x60  }
0xae: {  	[dreg:$0x2] =	wrdreg s24  }
0xaf: {  	[dreg:$0x3] =	wrdreg $0x88000  }
0xb0: {  	[dreg:$0x4] =	wrdreg $0x9  }
0xb1: {  	_ =	task.clear_ibuf [dreg:s6], $0x5FFFF;
	_ =	strace $0x90000046  }
0xb2: {  	s29 =	simm.s32 $0x9;
	_ =	strace $0x80000048  }
0xb3: {  	_ =	swait.ge [sflag:s29], $0x1  }
0xb4: {  	[sflag:s29] =	ssyncadd.s32 $0xFFFFFFFF  }
0xb5: {  	_ =	strace $0x90000048  }
0xb6: {  	_ =	sfence  }
0xb7: {  	s30 =	sld [smem:$0x0];
	_ =	sdelay $0x2  }
0xb8: {  	s31 =	sshll.u32 s1, $0xD;
	s1 =	sshrl.u32 s1, $0x2  }
0xb9: {  	s3 =	sand.u32 $0x4000, s31;
	s1 =	sadd.s32 s1, s30  }
0xba: {  	s0 =	sor.u32 s3, s0;
	s1 =	sshll.u32 s1, $0x11  }
0xbb: {  	s0 =	sor.u32 s1, s0  }
0xbc: {  	s0 =	sadd.s32 $0x8F2B, s0  }
0xbd: {  	[sflag:s0] =	ssyncadd.remote.s32 $0x1  }
0xbe: {  	_ =	sfence.sel $0xFFFF  }
0xbf: {  	[dreg:$0x0] =	wrdreg $0xFFFFFFFF;
	(pc) =	sbr.abs _section_cstart, $3  }
0xc0: {  	[dreg:$0x1] =	wrdreg $0xFFFFFFFF  }
0xc1: {  	_ =	task.clear_ibuf [dreg:s6], $0x2FFFF;
	_ =	strace $0x9FFFFFFF  }
0xc2: {  	(tm) =	ssettm $0x7FFFFFFF  }
0xc3: {  	_ =	shalt  }
tec
execute0_lowered:
.L_overlay_start_1:
0x0: {  	(tag) =	ssettag $0x1  }
0x1: {  	s0 =	srdreg.scid;
	s4 =	rddreg [dreg:$0x0]  }
0x2: {  	s2 =	rddreg [dreg:$0x1];
	s5 =	sand.u32 $0x1, s0  }
0x3: {  	s0 =	stileid.u32;
	s6 =	smul.u32 $0x28000, s5  }
0x4: {  	s1 =	rddreg [dreg:$0x2];
	s3 =	simm.s32 $0x0;
	s7 =	smul.u32 $0x2800, s0  }
0x5: {  	s17 =	simm.s32 $0x6800;
	s18 =	simm.s32 $0x2;
	s28 =	smul.u32 $0x27800, s5  }
0x6: {  	s19 =	simm.s32 $0x80;
	s20 =	simm.s32 $0x2800;
	s8 =	smul.u32 $0x2780, s0  }
0x7: {  	s21 =	simm.s32 $0x1;
	[smem:$0x7FF] =	sst s3;
	s9 =	smul.u32 $0x50000, s0  }
0x8: {  	_ =	strace $0x80000047;
	s5 =	ssub.s32 $0x2, s5;
	s10 =	smul.u32 $0x4F000, s0  }
0x9: {  	s29 =	sshrl.u32 s5, $0x1;
	s6 =	sadd.s32 s7, s6;
	s7 =	sadd.s32 s8, s28  }
0xa: {  	s8 =	ssub.s32 s5, s29;
	s30 =	sshrl.u32 s9, $0x2;
	s31 =	sshrl.u32 s10, $0x2  }
0xb: {  	s6 =	sshrl.u32 s6, $0x3;
	s7 =	sadd.s32 s7, s4;
	s22 =	sadd.s32 s31, s2  }
0xc: {  	s6 =	sadd.s32 s6, s4;
	s4 =	sadd.s32 s30, s2;
	s22 =	sshrl.u32 s22, $0x3  }
0xd: {  	s5 =	sadd.s32 $0x3800, s6;
	s6 =	sadd.s32 $0xD800, s7;
	s7 =	smax.u32 s8, $0x1  }
0xe: {  	s8 =	sadd.s32 $0x2000, s4;
	s9 =	sadd.s32 $0x4000, s4;
	s10 =	sadd.s32 $0x6000, s4  }
0xf: {  	s11 =	sadd.s32 $0x8000, s4;
	s12 =	sadd.s32 $0xA000, s4;
	s13 =	sadd.s32 $0xC000, s4  }
0x10: {  	v0 =	vimm.f32 $1.000000000e+00;
	v1 =	vimm.f32 $0.0e+00;
	s14 =	sadd.s32 $0xE000, s4;
	s15 =	sadd.s32 $0x10000, s4;
	s16 =	sadd.s32 $0x12000, s4  }
.LBB2_1:
0x11: {  	s23 =	simm.s32 $0x0;
	s24 =	simm.s32 $0x0  }
.LBB2_2:
0x12: {  	p0 =	sne.s32 s24, $0xFFC0  }
.Ltmp0:
0x13: {  	_ = 	snop;
	(pc) =	sbr.rel @p0 .LBB2_2-.Ltmp0, $4  }
0x14: {  	s25 =	sand.u32 $0xFE00, s24  }
0x15: {  	s26 =	sand.u32 $0x70, s23;
	s25 =	sshrl.u32 s25, $0x2  }
0x16: {  	s25 =	sor.u32 s26, s25  }
0x17: {  	s23 =	sadd.s32 $0x10, s23;
	s24 =	sadd.s32 $0x40, s24;
	[tilespmem:s25+$0x2800] =	vst v0  }
0x18: {  	s23 =	simm.s32 $0x0  }
0x19: {  	s24 =	sand.u32 $0x7E00, s23  }
0x1a: {  	s25 =	sand.u32 $0x70, s23;
	s26 =	sshrl.u32 s24, $0x2  }
0x1b: {  	s24 =	simm.s32 $0x40;
	s25 =	sor.u32 s25, s26  }
.LBB2_4:
0x1c: {  	p0 =	sne.s32 s24, $0x7FC0  }
0x1d: {  	[tilespmem:s25+$0x6800] =	vst v1;
	s23 =	sadd.s32 $0x10, s23;
	s25 =	smov.u32 s24;
	s24 =	sadd.s32 $0x40, s24  }
.Ltmp1:
0x1e: {  	(pc) =	sbr.rel @p0 .LBB2_4-.Ltmp1, $4  }
0x1f: {  	_ = 	snop  }
0x20: {  	s25 =	sand.u32 $0x7E00, s25  }
0x21: {  	s26 =	sand.u32 $0x70, s23;
	s25 =	sshrl.u32 s25, $0x2  }
0x22: {  	s25 =	sor.u32 s26, s25  }
0x23: {  	[tilespmem:s25+$0x6800] =	vst v1  }
0x24: {  	[spmem:s4] =	stream.linear.scatter [tilespmem:s17], [sflag:$0x2], $0x2000, $0x38;
	[tilespmem:$0x1C800] =	vst v63  }
0x25: {  	_ =	swait.ge [sflag:s18], $0x2000  }
0x26: {  	[sflag:s18] =	ssyncset.done $0x0  }
0x27: {  	[sflag:s18] =	ssyncadd.s32 $0xFFFFE000  }
0x28: {  	[spmem:s8] =	stream.linear.scatter [tilespmem:s17], [sflag:$0x2], $0x2000, $0x38;
	[tilespmem:$0x1C800] =	vst v63  }
0x29: {  	_ =	swait.ge [sflag:s18], $0x2000  }
0x2a: {  	[sflag:s18] =	ssyncset.done $0x0  }
0x2b: {  	[sflag:s18] =	ssyncadd.s32 $0xFFFFE000  }
0x2c: {  	[spmem:s9] =	stream.linear.scatter [tilespmem:s17], [sflag:$0x2], $0x2000, $0x38;
	[tilespmem:$0x1C800] =	vst v63  }
0x2d: {  	_ =	swait.ge [sflag:s18], $0x2000  }
0x2e: {  	[sflag:s18] =	ssyncset.done $0x0  }
0x2f: {  	[sflag:s18] =	ssyncadd.s32 $0xFFFFE000  }
0x30: {  	[spmem:s10] =	stream.linear.scatter [tilespmem:s17], [sflag:$0x2], $0x2000, $0x38;
	[tilespmem:$0x1C800] =	vst v63  }
0x31: {  	_ =	swait.ge [sflag:s18], $0x2000  }
0x32: {  	[sflag:s18] =	ssyncset.done $0x0  }
0x33: {  	[sflag:s18] =	ssyncadd.s32 $0xFFFFE000  }
0x34: {  	[spmem:s11] =	stream.linear.scatter [tilespmem:s17], [sflag:$0x2], $0x2000, $0x38;
	[tilespmem:$0x1C800] =	vst v63  }
0x35: {  	_ =	swait.ge [sflag:s18], $0x2000  }
0x36: {  	[sflag:s18] =	ssyncset.done $0x0  }
0x37: {  	[sflag:s18] =	ssyncadd.s32 $0xFFFFE000  }
0x38: {  	[spmem:s12] =	stream.linear.scatter [tilespmem:s17], [sflag:$0x2], $0x2000, $0x38;
	[tilespmem:$0x1C800] =	vst v63  }
0x39: {  	_ =	swait.ge [sflag:s18], $0x2000  }
0x3a: {  	[sflag:s18] =	ssyncset.done $0x0  }
0x3b: {  	[sflag:s18] =	ssyncadd.s32 $0xFFFFE000  }
0x3c: {  	[spmem:s13] =	stream.linear.scatter [tilespmem:s17], [sflag:$0x2], $0x2000, $0x38;
	[tilespmem:$0x1C800] =	vst v63  }
0x3d: {  	_ =	swait.ge [sflag:s18], $0x2000  }
0x3e: {  	[sflag:s18] =	ssyncset.done $0x0  }
0x3f: {  	[sflag:s18] =	ssyncadd.s32 $0xFFFFE000  }
0x40: {  	[spmem:s14] =	stream.linear.scatter [tilespmem:s17], [sflag:$0x2], $0x2000, $0x38;
	[tilespmem:$0x1C800] =	vst v63  }
0x41: {  	_ =	swait.ge [sflag:s18], $0x2000  }
0x42: {  	[sflag:s18] =	ssyncset.done $0x0  }
0x43: {  	[sflag:s18] =	ssyncadd.s32 $0xFFFFE000  }
0x44: {  	[spmem:s15] =	stream.linear.scatter [tilespmem:s17], [sflag:$0x2], $0x2000, $0x38;
	[tilespmem:$0x1C800] =	vst v63  }
0x45: {  	_ =	swait.ge [sflag:s18], $0x2000  }
0x46: {  	[sflag:s18] =	ssyncset.done $0x0  }
0x47: {  	[sflag:s18] =	ssyncadd.s32 $0xFFFFE000  }
0x48: {  	[spmem:s16] =	stream.linear.scatter [tilespmem:s17], [sflag:$0x2], $0x2000, $0x38;
	[tilespmem:$0x1C800] =	vst v63  }
0x49: {  	_ =	swait.ge [sflag:s18], $0x2000  }
0x4a: {  	[sflag:s18] =	ssyncset.done $0x0  }
0x4b: {  	s23 =	simm.s32 $0x0;
	[sflag:s18] =	ssyncadd.s32 $0xFFFFE000  }
0x4c: {  	[tilespmem:s23], [sflag:$0x2] =	stream.linear.gather [hbm4b:s5+s23], $0x2800, $0x38;
	[tilespmem:$0x1C800] =	vst v63  }
0x4d: {  	_ =	swait.ge [sflag:s18], $0x2800  }
0x4e: {  	[sflag:s18] =	ssyncset.done $0x0  }
0x4f: {  	[sflag:s18] =	ssyncadd.s32 $0xFFFFD800  }
0x50: {  	s31 =	simm.s32 $0x0;
	[bflag:$0x0] =	sbarrier.arrive $0xFFFF  }
0x51: {  	[spmem:s2] =	stream.indirect.scatter.add.f32 [tilespmem:s20], [sflag:$0x1], $0x80, s31, s19, $0xb8;
	[tilespmem:$0x1C800] =	vst v63  }
0x52: {  	_ =	swait.ge [sflag:s21], $0x4000  }
0x53: {  	s23 =	simm.s32 $0x200;
	[sflag:s21] =	ssyncset.done $0x0  }
.LBB2_6:
0x54: {  	s24 =	sshra.s32 s23, $0x2;
	[sflag:s21] =	ssyncadd.s32 $0xFFFFC000;
	p0 =	sne.s32 s23, $0x9E00  }
0x55: {  	[spmem:s2] =	stream.indirect.scatter.add.f32 [tilespmem:s20], [sflag:$0x1], $0x80, s24, s19, $0xb8;
	[tilespmem:$0x1C800] =	vst v63  }
.Ltmp2:
0x56: {  	_ = 	snop;
	(pc) =	sbr.rel @p0 .LBB2_6-.Ltmp2, $4  }
0x57: {  	_ = 	snop  }
0x58: {  	s23 =	sadd.s32 $0x200, s23  }
0x59: {  	_ =	swait.ge [sflag:s21], $0x4000  }
0x5a: {  	[sflag:s21] =	ssyncset.done $0x0  }
0x5b: {  	s3 =	sadd.s32 $0x1, s3  }
0x5c: {  	[sflag:s21] =	ssyncadd.s32 $0xFFFFC000;
	s23 =	sshll.u32 s0, $0x6;
	p0 =	sne.s32 s3, s7  }
.Ltmp3:
0x5d: {  	[bflag:$0x0] =	sbarrier.arrive $0xFFFF;
	s23 =	sor.u32 $0x1C02, s23;
	(pc) =	sbr.rel @p0 .LBB2_1-.Ltmp3, $4  }
0x5e: {  	[hbm:s6], [sflag:s23] =	dma.local [spmem:s22], $0x2780  }
0x5f: {  	_ =	swait.ge [sflag:s18], $0x2780  }
0x60: {  	[sflag:s18] =	ssyncset.done $0x0  }
0x61: {  	[sflag:s18] =	ssyncadd.s32 $0xFFFFD880  }
0x62: {  	_ =	sfence.sel $0x180000  }
0x63: {  	[bflag:$0x0] =	sbarrier.arrive $0xFFFF  }
0x64: {  	p0 =	sne.s32 s0, $0x0;
	_ =	strace $0x90000047  }
0x65: {  	s0 =	sadd.s32 @!p0 $0x100000, s1;
	[bflag:$0x2] =	sbarrier.arrive $0xFFFF  }
0x66: {  	[sflag:s0] =	ssyncadd.tile.s32 @!p0 $0x1;
	_ =	shalt  }
.Lfunc_end2:
_tile_overlayer_lowered:
.L_overlay_start_2:
0x67: {  	(tag) =	ssettag $0x2  }
0x68: {  	s0 =	rddreg [dreg:$0x0];
	s2 =	stileid.u32  }
0x69: {  	s1 =	rddreg [dreg:$0x1];
	p0 =	sne.s32 s2, $0x0  }
0x6a: {  	s3 =	rddreg [dreg:$0x2];
	[bflag:$0x3] =	sbarrier.arrive $0xFFFF;
	s2 =	simm.s32 @!p0 $0x1C02  }
0x6b: {  	[timem:s3], [sflag:s2] =	dma.local @!p0 [hbm:s0], s1  }
0x6c: {  	s0 =	simm.s32 @!p0 $0x2  }
0x6d: {  	_ =	swait.ge @!p0 [sflag:s0], s1  }
0x6e: {  	s1 =	ssub.s32 @!p0 $0x0, s1;
	[sflag:s0] =	ssyncset.done @!p0 $0x0  }
0x6f: {  	[sflag:s0] =	ssyncadd.s32 @!p0 s1  }
0x70: {  	[bflag:$0x3] =	sbarrier.arrive $0xFFFF  }
0x71: {  	_ =	shalt  }

</sc_bundles>
